<compile_context>
chip_gen: v7x
topology: tpu7x:2x2x1
jax: 0.10.2.dev20260603
libtpu: 0.0.44.dev20260713+nightly
codegen_flags: <defaults>
</compile_context>

<pallas_src>
import jax
import jax.numpy as jnp
from jax import lax
from jax.experimental import pallas as pl
from jax.experimental.pallas import tpu as pltpu
from jax.experimental.pallas import tpu_sc as plsc

N_NODES = 50000
N_EDGES = 800000
D_IN = 128
D_MSG = 64
D_HALF = D_MSG // 2

NUM_SUBCORES = 16
N_PAD = 50048
ROWS_PER_TEC = N_PAD // NUM_SUBCORES
N_TRASH = N_PAD - N_NODES

CHUNK = 128
SB = 2
CW = 8
SB_E = SB * CHUNK
E_PT = 50176
NSB = E_PT // SB_E
NSB_C = NSB // 2

ROW_BLK = 2000


def _mm_body(h_ref, w_ref, b_ref, o0_ref, o1_ref):
    x = jnp.dot(h_ref[...], w_ref[...], preferred_element_type=jnp.float32)
    x = x + b_ref[...]
    s = jnp.maximum(x, 0.0) + jnp.log1p(jnp.exp(-jnp.abs(x)))
    o0_ref[...] = s[:, :D_HALF]
    o1_ref[...] = s[:, D_HALF:]


def _matmul_softplus(h, wt, b):
    grid = (N_NODES // ROW_BLK,)
    return pl.pallas_call(
        _mm_body,
        grid=grid,
        in_specs=[
            pl.BlockSpec((ROW_BLK, D_IN), lambda i: (i, 0)),
            pl.BlockSpec((D_IN, D_MSG), lambda i: (0, 0)),
            pl.BlockSpec((1, D_MSG), lambda i: (0, 0)),
        ],
        out_specs=[
            pl.BlockSpec((ROW_BLK, D_HALF), lambda i: (i, 0)),
            pl.BlockSpec((ROW_BLK, D_HALF), lambda i: (i, 0)),
        ],
        out_shape=[
            jax.ShapeDtypeStruct((N_NODES, D_HALF), jnp.float32),
            jax.ShapeDtypeStruct((N_NODES, D_HALF), jnp.float32),
        ],
    )(h, wt, b)


def _sc_sum_body(src_hbm, dst_hbm, t0_hbm, t1_hbm, z32_hbm,
                 sum0_hbm, sum1_hbm,
                 sidx, didx, rows, acc, gsem, ssem, isem):
    c = lax.axis_index("c")
    s = lax.axis_index("s")

    base_r = s * ROWS_PER_TEC
    pltpu.sync_copy(z32_hbm, acc.at[pl.ds(base_r, ROWS_PER_TEC)])
    plsc.subcore_barrier()

    sb0 = s * NSB

    def fire_gathers(j, b):
        for k in range(SB):
            @pl.when(c == 0)
            def _(k=k):
                pltpu.async_copy(t0_hbm.at[sidx.at[j, k]], rows.at[b, k],
                                 gsem)

            @pl.when(c == 1)
            def _(k=k):
                pltpu.async_copy(t1_hbm.at[sidx.at[j, k]], rows.at[b, k],
                                 gsem)

    def drain_gathers(j, b):
        for k in range(SB):
            pltpu.make_async_copy(t0_hbm.at[sidx.at[j, k]], rows.at[b, k],
                                  gsem).wait()

    def drain_scatters(j, b):
        for k in range(SB):
            pltpu.make_async_copy(rows.at[b, k], acc.at[didx.at[j, k]],
                                  ssem).wait()

    def load_idx(i, j):
        pltpu.async_copy(src_hbm.at[i], sidx.at[j], isem)
        pltpu.async_copy(dst_hbm.at[i], didx.at[j], isem)

    def wait_idx(i, j):
        pltpu.make_async_copy(src_hbm.at[i], sidx.at[j], isem).wait()
        pltpu.make_async_copy(dst_hbm.at[i], didx.at[j], isem).wait()

    pltpu.sync_copy(src_hbm.at[sb0], sidx.at[0])
    pltpu.sync_copy(dst_hbm.at[sb0], didx.at[0])
    load_idx(sb0 + 1, 1)
    fire_gathers(0, 0)
    wait_idx(sb0 + 1, 1)
    load_idx(sb0 + 2, 2)
    fire_gathers(1, 1)

    def body(sb, carry):
        b = sb % 3
        bm1 = (sb + 2) % 3
        j = sb % 4
        jm1 = (sb + 3) % 4
        jp2 = (sb + 2) % 4
        jp3 = (sb + 3) % 4
        ip2 = sb0 + jnp.minimum(sb + 2, NSB - 1)
        ip3 = sb0 + jnp.minimum(sb + 3, NSB - 1)

        @pl.when(sb > 0)
        def _():
            drain_scatters(jm1, bm1)

        drain_gathers(j, b)

        for k in range(SB):
            pltpu.async_copy(rows.at[b, k], acc.at[didx.at[j, k]],
                             ssem, add=True)

        wait_idx(ip2, jp2)
        fire_gathers(jp2, bm1)
        load_idx(ip3, jp3)
        return carry

    lax.fori_loop(0, NSB, body, 0)

    drain_scatters((NSB + 3) % 4, (NSB + 2) % 3)
    drain_gathers(NSB % 4, NSB % 3)
    drain_gathers((NSB + 1) % 4, (NSB + 1) % 3)
    last = sb0 + NSB - 1
    wait_idx(last, (NSB + 2) % 4)

    plsc.subcore_barrier()

    row_slice = pl.ds(base_r, ROWS_PER_TEC)

    @pl.when(c == 0)
    def _():
        pltpu.sync_copy(acc.at[row_slice], sum0_hbm.at[row_slice])

    @pl.when(c == 1)
    def _():
        pltpu.sync_copy(acc.at[row_slice], sum1_hbm.at[row_slice])


def _segment_sums(src, dst, t0, t1):
    z32 = jnp.zeros((ROWS_PER_TEC, D_HALF), jnp.float32)
    mesh = plsc.VectorSubcoreMesh(core_axis_name="c", subcore_axis_name="s")
    f = pl.kernel(
        _sc_sum_body,
        out_type=[
            jax.ShapeDtypeStruct((N_PAD, D_HALF), jnp.float32),
            jax.ShapeDtypeStruct((N_PAD, D_HALF), jnp.float32),
        ],
        mesh=mesh,
        compiler_params=pltpu.CompilerParams(use_tc_tiling_on_sc=False),
        scratch_types=[
            pltpu.VMEM((4, SB, CHUNK), jnp.int32),
            pltpu.VMEM((4, SB, CHUNK), jnp.int32),
            pltpu.VMEM((3, SB, CHUNK, D_HALF), jnp.float32),
            pltpu.VMEM_SHARED((N_PAD, D_HALF), jnp.float32),
            pltpu.SemaphoreType.DMA,
            pltpu.SemaphoreType.DMA,
            pltpu.SemaphoreType.DMA,
        ],
    )
    return f(src, dst, t0, t1, z32)


def _sc_cnt_body(dst_hbm, z8_hbm, ones_hbm, cnt_hbm,
                 didx, ones, cnt, ssem, isem):
    c = lax.axis_index("c")
    s = lax.axis_index("s")

    base_r = s * ROWS_PER_TEC
    pltpu.sync_copy(z8_hbm, cnt.at[pl.ds(base_r, ROWS_PER_TEC)])
    pltpu.sync_copy(ones_hbm, ones)
    plsc.subcore_barrier()

    sb0 = s * NSB + c * NSB_C

    pltpu.sync_copy(dst_hbm.at[sb0], didx.at[0])
    pltpu.async_copy(dst_hbm.at[sb0 + 1], didx.at[1], isem)
    pltpu.async_copy(dst_hbm.at[sb0 + 2], didx.at[2], isem)

    def body(sb, carry):
        j = sb % 5
        jm2 = (sb + 3) % 5
        jp3 = (sb + 3) % 5
        i3 = sb0 + jnp.minimum(sb + 3, NSB_C - 1)

        @pl.when(sb > 1)
        def _():
            for k in range(SB):
                pltpu.make_async_copy(ones, cnt.at[didx.at[jm2, k]],
                                      ssem).wait()

        for k in range(SB):
            pltpu.async_copy(ones, cnt.at[didx.at[j, k]], ssem, add=True)

        pltpu.make_async_copy(dst_hbm.at[i3], didx.at[jp3], isem).wait()
        pltpu.async_copy(dst_hbm.at[i3], didx.at[jp3], isem)
        return carry

    lax.fori_loop(0, NSB_C, body, 0)

    for sbt in (NSB_C - 2, NSB_C - 1):
        for k in range(SB):
            pltpu.make_async_copy(ones, cnt.at[didx.at[sbt % 5, k]],
                                  ssem).wait()
    last = sb0 + NSB_C - 1
    pltpu.make_async_copy(dst_hbm.at[last], didx.at[(NSB_C + 2) % 5],
                          isem).wait()
    pltpu.make_async_copy(dst_hbm.at[last], didx.at[(NSB_C + 3) % 5],
                          isem).wait()

    plsc.subcore_barrier()

    row_slice = pl.ds(base_r, ROWS_PER_TEC)
    @pl.when(c == 0)
    def _():
        pltpu.sync_copy(cnt.at[row_slice], cnt_hbm.at[0, row_slice])

    @pl.when(c == 1)
    def _():
        pltpu.sync_copy(cnt.at[row_slice], cnt_hbm.at[1, row_slice])


def _segment_counts(dst):
    z8 = jnp.zeros((ROWS_PER_TEC, CW), jnp.float32)
    ones = jnp.ones((CHUNK, CW), jnp.float32)
    mesh = plsc.VectorSubcoreMesh(core_axis_name="c", subcore_axis_name="s")
    f = pl.kernel(
        _sc_cnt_body,
        out_type=jax.ShapeDtypeStruct((2, N_PAD, CW), jnp.float32),
        mesh=mesh,
        compiler_params=pltpu.CompilerParams(use_tc_tiling_on_sc=False),
        scratch_types=[
            pltpu.VMEM((5, SB, CHUNK), jnp.int32),
            pltpu.VMEM((CHUNK, CW), jnp.float32),
            pltpu.VMEM_SHARED((N_PAD, CW), jnp.float32),
            pltpu.SemaphoreType.DMA,
            pltpu.SemaphoreType.DMA,
        ],
    )
    return f(dst, z8, ones)


def _combine_body(s0_ref, s1_ref, c0_ref, c1_ref, o_ref):
    cnt = c0_ref[0, :, 0:1] + c1_ref[0, :, 0:1]
    inv = 1.0 / jnp.maximum(cnt, 1.0)
    o_ref[...] = jnp.concatenate([s0_ref[...] * inv, s1_ref[...] * inv],
                                 axis=1)


def _combine(sum0, sum1, cnt2):
    grid = (N_NODES // ROW_BLK,)
    return pl.pallas_call(
        _combine_body,
        grid=grid,
        in_specs=[
            pl.BlockSpec((ROW_BLK, D_HALF), lambda i: (i, 0)),
            pl.BlockSpec((ROW_BLK, D_HALF), lambda i: (i, 0)),
            pl.BlockSpec((1, ROW_BLK, CW), lambda i: (0, i, 0)),
            pl.BlockSpec((1, ROW_BLK, CW), lambda i: (1, i, 0)),
        ],
        out_specs=pl.BlockSpec((ROW_BLK, D_MSG), lambda i: (i, 0)),
        out_shape=jax.ShapeDtypeStruct((N_NODES, D_MSG), jnp.float32),
    )(sum0, sum1, cnt2, cnt2)


def _pad_edges(src, dst):
    per_tec = N_EDGES // NUM_SUBCORES
    pad_n = E_PT - per_tec
    trash = N_NODES + (jnp.arange(pad_n, dtype=jnp.int32) % N_TRASH)
    src2 = jnp.concatenate(
        [src.reshape(NUM_SUBCORES, per_tec),
         jnp.zeros((NUM_SUBCORES, pad_n), jnp.int32)], axis=1)
    dst2 = jnp.concatenate(
        [dst.reshape(NUM_SUBCORES, per_tec),
         jnp.broadcast_to(trash, (NUM_SUBCORES, pad_n))], axis=1)
    return (src2.reshape(NUM_SUBCORES * NSB, SB, CHUNK),
            dst2.reshape(NUM_SUBCORES * NSB, SB, CHUNK))


@jax.jit
def kernel(h, edge_index, edge_weight, edge_attr, data, W0, b0, Ws, bs):
    src = edge_index[0]
    dst = edge_index[1]
    src2, dst2 = _pad_edges(src, dst)
    cnt2 = _segment_counts(dst2)
    t0, t1 = _matmul_softplus(h, W0.T, b0.reshape(1, D_MSG))
    sum0, sum1 = _segment_sums(src2, dst2, t0, t1)
    return _combine(sum0, sum1, cnt2)

# --- scband reference (transcript-rebuilt; emitter-appended) ---
"""Pipeline reference for scband-interactions-79688823210319 (READ-ONLY COPY).

The authoritative reference and input builder live on the scoring server;
editing this copy changes nothing except your own understanding.
"""

import jax, jax.numpy as jnp
import numpy as np

N_NODES = 50000
N_EDGES = 800000
D_IN = 128
D_MSG = 64
D_EDGE = 16


def setup_inputs(seed: int = 0) -> dict:
    key = jax.random.key(seed)
    ks = jax.random.split(key, 8)
    h = jax.random.normal(ks[0], (N_NODES, D_IN), dtype=jnp.float32)
    edge_index = jax.random.randint(ks[1], (2, N_EDGES), 0, N_NODES, dtype=jnp.int64 if jax.config.jax_enable_x64 else jnp.int32).astype(jnp.int32)
    edge_weight = jax.random.uniform(ks[2], (N_EDGES,), dtype=jnp.float32)
    edge_attr = jax.random.normal(ks[3], (N_EDGES, D_EDGE), dtype=jnp.float32)
    data = jnp.zeros((1,), dtype=jnp.float32)
    # lin0: Linear(node_hidden_channels=128 -> num_node_interaction_channels=64)
    W0 = jax.random.normal(ks[4], (D_MSG, D_IN), dtype=jnp.float32) * (1.0 / np.sqrt(D_IN))
    b0 = jnp.zeros((D_MSG,), dtype=jnp.float32)
    # short: Linear(num_edge_gaussians=16 -> 1)
    Ws = jax.random.normal(ks[5], (1, D_EDGE), dtype=jnp.float32) * (1.0 / np.sqrt(D_EDGE))
    bs = jnp.zeros((1,), dtype=jnp.float32)
    return {"h": h, "edge_index": edge_index, "edge_weight": edge_weight,
            "edge_attr": edge_attr, "data": data,
            "W0": W0, "b0": b0, "Ws": Ws, "bs": bs}


def reference(h, edge_index, edge_weight, edge_attr, data, W0, b0, Ws, bs):
    # out = softplus(lin0(h))
    out = jax.nn.softplus(h @ W0.T + b0)
    # edge_attr = softplus(short(edge_attr))  (computed; unused by default message path)
    ea = jax.nn.softplus(edge_attr @ Ws.T + bs)
    # RotNet.propagate with dense edge_index Tensor -> default message (x_j) + mean aggregation
    # flow='source_to_target': x_j = x[edge_index[0]], aggregate by dst = edge_index[1]
    src = edge_index[0]
    dst = edge_index[1]
    msgs = jnp.take(out, src, axis=0)  # gather [E, D_MSG]
    n = out.shape[0]
    summed = jax.ops.segment_sum(msgs, dst, num_segments=n)
    cnt = jax.ops.segment_sum(jnp.ones((msgs.shape[0],), dtype=out.dtype), dst, num_segments=n)
    agg = summed / jnp.clip(cnt, 1.0, None)[:, None]
    return agg

if __name__ == "__main__":
    import jax
    _d = setup_inputs()
    print(jax.jit(kernel)(*tuple(_d.values())))

</pallas_src>

<mosaic_0001>
#map = affine_map<(d0, d1) -> (0, 0, 0)>
#map1 = affine_map<(d0, d1) -> (0, 0)>
module attributes {stable_mosaic.version = 14 : i64} {
  func.func @_sc_cnt_body(%arg0: i32, %arg1: i32, %arg2: memref<3136x2x128xi32, #tpu.memory_space<hbm>>, %arg3: memref<3128x8xf32, #tpu.memory_space<hbm>>, %arg4: memref<128x8xf32, #tpu.memory_space<hbm>>, %arg5: memref<2x50048x8xf32, #tpu.memory_space<hbm>>, %arg6: memref<5x2x128xi32, #tpu.memory_space<vmem>>, %arg7: memref<128x8xf32, #tpu.memory_space<vmem>>, %arg8: memref<50048x8xf32, #tpu.memory_space<vmem_shared>>, %arg9: memref<!tpu.dma_semaphore, #tpu.memory_space<semaphore_mem>>, %arg10: memref<!tpu.dma_semaphore, #tpu.memory_space<semaphore_mem>>) attributes {dimension_semantics = [#tpu.dimension_semantics<core_parallel>, #tpu.dimension_semantics<subcore_parallel>], iteration_bounds = array<i64: 2, 16>, scalar_prefetch = 0 : i64, scratch_operands = 5 : i64, tpu.core_type = #tpu.core_type<sc_vector_subcore>, window_params = [{transform_indices = #map}, {transform_indices = #map1}, {transform_indices = #map1}, {transform_indices = #map}]} {
    %mul3A = arith.constant 3128 : i32
    %mul3A_0 = arith.muli %arg1, %mul3A : i32
    "tpu.region"() ({
      %run_scoped3A_123 = tpu.sem_alloc : memref<!tpu.dma_semaphore, #tpu.memory_space<semaphore_mem>>
      %dma_start3A_124 = arith.constant 0 : i32
      %dma_start3A_125 = tpu.memref_slice %arg8[%mul3A_0, %dma_start3A_124] : memref<50048x8xf32, #tpu.memory_space<vmem_shared>> -> memref<3128x8xf32, #tpu.memory_space<vmem_shared>>
      tpu.enqueue_dma source(%arg3 : memref<3128x8xf32, #tpu.memory_space<hbm>>) target(%dma_start3A_125 : memref<3128x8xf32, #tpu.memory_space<vmem_shared>>) target_semaphore(%run_scoped3A_123 : memref<!tpu.dma_semaphore, #tpu.memory_space<semaphore_mem>>)
      %dma_wait3A_126 = arith.constant 0 : i32
      %dma_wait3A_127 = tpu.memref_slice %arg8[%mul3A_0, %dma_wait3A_126] : memref<50048x8xf32, #tpu.memory_space<vmem_shared>> -> memref<3128x8xf32, #tpu.memory_space<vmem_shared>>
      tpu.wait_dma2 semaphore(%run_scoped3A_123 : memref<!tpu.dma_semaphore, #tpu.memory_space<semaphore_mem>>) src(%arg3 : memref<3128x8xf32, #tpu.memory_space<hbm>>) dst(%dma_wait3A_127 : memref<3128x8xf32, #tpu.memory_space<vmem_shared>>)
      tpu.yield
    }) : () -> ()
    "tpu.region"() ({
      %run_scoped3A_123 = tpu.sem_alloc : memref<!tpu.dma_semaphore, #tpu.memory_space<semaphore_mem>>
      tpu.enqueue_dma source(%arg4 : memref<128x8xf32, #tpu.memory_space<hbm>>) target(%arg7 : memref<128x8xf32, #tpu.memory_space<vmem>>) target_semaphore(%run_scoped3A_123 : memref<!tpu.dma_semaphore, #tpu.memory_space<semaphore_mem>>)
      tpu.wait_dma2 semaphore(%run_scoped3A_123 : memref<!tpu.dma_semaphore, #tpu.memory_space<semaphore_mem>>) src(%arg4 : memref<128x8xf32, #tpu.memory_space<hbm>>) dst(%arg7 : memref<128x8xf32, #tpu.memory_space<vmem>>)
      tpu.yield
    }) : () -> ()
    %barrier3A = arith.constant 0 : index
    tpu.barrier barrier_id(%barrier3A)
    %mul3A_1 = arith.constant 196 : i32
    %mul3A_2 = arith.muli %arg1, %mul3A_1 : i32
    %mul3A_3 = arith.constant 98 : i32
    %mul3A_4 = arith.muli %arg0, %mul3A_3 : i32
    %add3A = arith.addi %mul3A_2, %mul3A_4 : i32
    %run_scoped3A = arith.constant 0 : i32
    "tpu.region"() ({
      %run_scoped3A_123 = tpu.sem_alloc : memref<!tpu.dma_semaphore, #tpu.memory_space<semaphore_mem>>
      %dma_start3A_124 = arith.constant 0 : i32
      %dma_start3A_125 = arith.constant 0 : i32
      %dma_start3A_126 = tpu.memref_slice %arg6[%run_scoped3A, %dma_start3A_124, %dma_start3A_125] : memref<5x2x128xi32, #tpu.memory_space<vmem>> -> memref<1x2x128xi32, #tpu.memory_space<vmem>>
      %dma_start3A_127 = tpu.memref_squeeze %dma_start3A_126 : memref<1x2x128xi32, #tpu.memory_space<vmem>> -> memref<2x128xi32, #tpu.memory_space<vmem>>
      %dma_start3A_128 = arith.constant 0 : i32
      %dma_start3A_129 = arith.constant 0 : i32
      %dma_start3A_130 = tpu.memref_slice %arg2[%add3A, %dma_start3A_128, %dma_start3A_129] : memref<3136x2x128xi32, #tpu.memory_space<hbm>> -> memref<1x2x128xi32, #tpu.memory_space<hbm>>
      %dma_start3A_131 = tpu.memref_squeeze %dma_start3A_130 : memref<1x2x128xi32, #tpu.memory_space<hbm>> -> memref<2x128xi32, #tpu.memory_space<hbm>>
      %dma_start3A_132 = arith.constant 0 : i32
      %dma_start3A_133 = arith.constant 0 : i32
      %dma_start3A_134 = tpu.memref_slice %arg6[%run_scoped3A, %dma_start3A_132, %dma_start3A_133] : memref<5x2x128xi32, #tpu.memory_space<vmem>> -> memref<1x2x128xi32, #tpu.memory_space<vmem>>
      %dma_start3A_135 = tpu.memref_squeeze %dma_start3A_134 : memref<1x2x128xi32, #tpu.memory_space<vmem>> -> memref<2x128xi32, #tpu.memory_space<vmem>>
      %dma_start3A_136 = arith.constant 0 : i32
      %dma_start3A_137 = arith.constant 0 : i32
      %dma_start3A_138 = tpu.memref_slice %arg2[%add3A, %dma_start3A_136, %dma_start3A_137] : memref<3136x2x128xi32, #tpu.memory_space<hbm>> -> memref<1x2x128xi32, #tpu.memory_space<hbm>>
      %dma_start3A_139 = tpu.memref_squeeze %dma_start3A_138 : memref<1x2x128xi32, #tpu.memory_space<hbm>> -> memref<2x128xi32, #tpu.memory_space<hbm>>
      tpu.enqueue_dma source(%dma_start3A_139 : memref<2x128xi32, #tpu.memory_space<hbm>>) target(%dma_start3A_135 : memref<2x128xi32, #tpu.memory_space<vmem>>) target_semaphore(%run_scoped3A_123 : memref<!tpu.dma_semaphore, #tpu.memory_space<semaphore_mem>>)
      %dma_wait3A_140 = arith.constant 0 : i32
      %dma_wait3A_141 = arith.constant 0 : i32
      %dma_wait3A_142 = tpu.memref_slice %arg6[%run_scoped3A, %dma_wait3A_140, %dma_wait3A_141] : memref<5x2x128xi32, #tpu.memory_space<vmem>> -> memref<1x2x128xi32, #tpu.memory_space<vmem>>
      %dma_wait3A_143 = tpu.memref_squeeze %dma_wait3A_142 : memref<1x2x128xi32, #tpu.memory_space<vmem>> -> memref<2x128xi32, #tpu.memory_space<vmem>>
      %dma_wait3A_144 = arith.constant 0 : i32
      %dma_wait3A_145 = arith.constant 0 : i32
      %dma_wait3A_146 = tpu.memref_slice %arg2[%add3A, %dma_wait3A_144, %dma_wait3A_145] : memref<3136x2x128xi32, #tpu.memory_space<hbm>> -> memref<1x2x128xi32, #tpu.memory_space<hbm>>
      %dma_wait3A_147 = tpu.memref_squeeze %dma_wait3A_146 : memref<1x2x128xi32, #tpu.memory_space<hbm>> -> memref<2x128xi32, #tpu.memory_space<hbm>>
      %dma_wait3A_148 = arith.constant 0 : i32
      %dma_wait3A_149 = arith.constant 0 : i32
      %dma_wait3A_150 = tpu.memref_slice %arg6[%run_scoped3A, %dma_wait3A_148, %dma_wait3A_149] : memref<5x2x128xi32, #tpu.memory_space<vmem>> -> memref<1x2x128xi32, #tpu.memory_space<vmem>>
      %dma_wait3A_151 = tpu.memref_squeeze %dma_wait3A_150 : memref<1x2x128xi32, #tpu.memory_space<vmem>> -> memref<2x128xi32, #tpu.memory_space<vmem>>
      %dma_wait3A_152 = arith.constant 0 : i32
      %dma_wait3A_153 = arith.constant 0 : i32
      %dma_wait3A_154 = tpu.memref_slice %arg2[%add3A, %dma_wait3A_152, %dma_wait3A_153] : memref<3136x2x128xi32, #tpu.memory_space<hbm>> -> memref<1x2x128xi32, #tpu.memory_space<hbm>>
      %dma_wait3A_155 = tpu.memref_squeeze %dma_wait3A_154 : memref<1x2x128xi32, #tpu.memory_space<hbm>> -> memref<2x128xi32, #tpu.memory_space<hbm>>
      tpu.wait_dma2 semaphore(%run_scoped3A_123 : memref<!tpu.dma_semaphore, #tpu.memory_space<semaphore_mem>>) src(%dma_wait3A_155 : memref<2x128xi32, #tpu.memory_space<hbm>>) dst(%dma_wait3A_151 : memref<2x128xi32, #tpu.memory_space<vmem>>)
      tpu.yield
    }) : () -> ()
    %add3A_5 = arith.constant 1 : i32
    %add3A_6 = arith.addi %add3A, %add3A_5 : i32
    %dma_start3A = arith.constant 1 : i32
    %dma_start3A_7 = arith.constant 0 : i32
    %dma_start3A_8 = arith.constant 0 : i32
    %dma_start3A_9 = tpu.memref_slice %arg6[%dma_start3A, %dma_start3A_7, %dma_start3A_8] : memref<5x2x128xi32, #tpu.memory_space<vmem>> -> memref<1x2x128xi32, #tpu.memory_space<vmem>>
    %dma_start3A_10 = tpu.memref_squeeze %dma_start3A_9 : memref<1x2x128xi32, #tpu.memory_space<vmem>> -> memref<2x128xi32, #tpu.memory_space<vmem>>
    %dma_start3A_11 = arith.constant 0 : i32
    %dma_start3A_12 = arith.constant 0 : i32
    %dma_start3A_13 = tpu.memref_slice %arg2[%add3A_6, %dma_start3A_11, %dma_start3A_12] : memref<3136x2x128xi32, #tpu.memory_space<hbm>> -> memref<1x2x128xi32, #tpu.memory_space<hbm>>
    %dma_start3A_14 = tpu.memref_squeeze %dma_start3A_13 : memref<1x2x128xi32, #tpu.memory_space<hbm>> -> memref<2x128xi32, #tpu.memory_space<hbm>>
    %dma_start3A_15 = arith.constant 0 : i32
    %dma_start3A_16 = arith.constant 0 : i32
    %dma_start3A_17 = tpu.memref_slice %arg6[%dma_start3A, %dma_start3A_15, %dma_start3A_16] : memref<5x2x128xi32, #tpu.memory_space<vmem>> -> memref<1x2x128xi32, #tpu.memory_space<vmem>>
    %dma_start3A_18 = tpu.memref_squeeze %dma_start3A_17 : memref<1x2x128xi32, #tpu.memory_space<vmem>> -> memref<2x128xi32, #tpu.memory_space<vmem>>
    %dma_start3A_19 = arith.constant 0 : i32
    %dma_start3A_20 = arith.constant 0 : i32
    %dma_start3A_21 = tpu.memref_slice %arg2[%add3A_6, %dma_start3A_19, %dma_start3A_20] : memref<3136x2x128xi32, #tpu.memory_space<hbm>> -> memref<1x2x128xi32, #tpu.memory_space<hbm>>
    %dma_start3A_22 = tpu.memref_squeeze %dma_start3A_21 : memref<1x2x128xi32, #tpu.memory_space<hbm>> -> memref<2x128xi32, #tpu.memory_space<hbm>>
    tpu.enqueue_dma source(%dma_start3A_22 : memref<2x128xi32, #tpu.memory_space<hbm>>) target(%dma_start3A_18 : memref<2x128xi32, #tpu.memory_space<vmem>>) target_semaphore(%arg10 : memref<!tpu.dma_semaphore, #tpu.memory_space<semaphore_mem>>)
    %add3A_23 = arith.constant 2 : i32
    %add3A_24 = arith.addi %add3A, %add3A_23 : i32
    %dma_start3A_25 = arith.constant 2 : i32
    %dma_start3A_26 = arith.constant 0 : i32
    %dma_start3A_27 = arith.constant 0 : i32
    %dma_start3A_28 = tpu.memref_slice %arg6[%dma_start3A_25, %dma_start3A_26, %dma_start3A_27] : memref<5x2x128xi32, #tpu.memory_space<vmem>> -> memref<1x2x128xi32, #tpu.memory_space<vmem>>
    %dma_start3A_29 = tpu.memref_squeeze %dma_start3A_28 : memref<1x2x128xi32, #tpu.memory_space<vmem>> -> memref<2x128xi32, #tpu.memory_space<vmem>>
    %dma_start3A_30 = arith.constant 0 : i32
    %dma_start3A_31 = arith.constant 0 : i32
    %dma_start3A_32 = tpu.memref_slice %arg2[%add3A_24, %dma_start3A_30, %dma_start3A_31] : memref<3136x2x128xi32, #tpu.memory_space<hbm>> -> memref<1x2x128xi32, #tpu.memory_space<hbm>>
    %dma_start3A_33 = tpu.memref_squeeze %dma_start3A_32 : memref<1x2x128xi32, #tpu.memory_space<hbm>> -> memref<2x128xi32, #tpu.memory_space<hbm>>
    %dma_start3A_34 = arith.constant 0 : i32
    %dma_start3A_35 = arith.constant 0 : i32
    %dma_start3A_36 = tpu.memref_slice %arg6[%dma_start3A_25, %dma_start3A_34, %dma_start3A_35] : memref<5x2x128xi32, #tpu.memory_space<vmem>> -> memref<1x2x128xi32, #tpu.memory_space<vmem>>
    %dma_start3A_37 = tpu.memref_squeeze %dma_start3A_36 : memref<1x2x128xi32, #tpu.memory_space<vmem>> -> memref<2x128xi32, #tpu.memory_space<vmem>>
    %dma_start3A_38 = arith.constant 0 : i32
    %dma_start3A_39 = arith.constant 0 : i32
    %dma_start3A_40 = tpu.memref_slice %arg2[%add3A_24, %dma_start3A_38, %dma_start3A_39] : memref<3136x2x128xi32, #tpu.memory_space<hbm>> -> memref<1x2x128xi32, #tpu.memory_space<hbm>>
    %dma_start3A_41 = tpu.memref_squeeze %dma_start3A_40 : memref<1x2x128xi32, #tpu.memory_space<hbm>> -> memref<2x128xi32, #tpu.memory_space<hbm>>
    tpu.enqueue_dma source(%dma_start3A_41 : memref<2x128xi32, #tpu.memory_space<hbm>>) target(%dma_start3A_37 : memref<2x128xi32, #tpu.memory_space<vmem>>) target_semaphore(%arg10 : memref<!tpu.dma_semaphore, #tpu.memory_space<semaphore_mem>>)
    %scan3A = arith.constant 0 : i32
    %scan3A_42 = arith.constant 0 : i32
    %scan3A_43 = arith.constant 98 : i32
    %scan3A_44 = arith.addi %scan3A_42, %scan3A_43 : i32
    %scan3A_45 = arith.constant 1 : i32
    scf.for %scan3A_123 = %scan3A_42 to %scan3A_44 step %scan3A_45  : i32 {
      %jit3A = arith.constant 5 : i32
      %eq3A_124 = arith.constant 0 : i32
      %eq3A_125 = arith.cmpi eq, %jit3A, %eq3A_124 : i32
      %jit3A_126 = arith.constant 1 : i32
      %select_n3A = arith.select %eq3A_125, %jit3A_126, %jit3A : i32
      %rem3A = arith.remsi %scan3A_123, %select_n3A : i32
      %ne3A = arith.constant 0 : i32
      %ne3A_127 = arith.cmpi ne, %rem3A, %ne3A : i32
      %lt3A = arith.constant 0 : i32
      %lt3A_128 = arith.cmpi slt, %rem3A, %lt3A : i32
      %lt3A_129 = arith.constant 0 : i32
      %lt3A_130 = arith.cmpi slt, %select_n3A, %lt3A_129 : i32
      %ne3A_131 = arith.xori %lt3A_128, %lt3A_130 : i1
      %and3A = arith.andi %ne3A_131, %ne3A_127 : i1
      %add3A_132 = arith.addi %rem3A, %select_n3A : i32
      %select_n3A_133 = arith.select %and3A, %add3A_132, %rem3A : i32
      %add3A_134 = arith.constant 3 : i32
      %add3A_135 = arith.addi %scan3A_123, %add3A_134 : i32
      %jit3A_136 = arith.constant 5 : i32
      %eq3A_137 = arith.constant 0 : i32
      %eq3A_138 = arith.cmpi eq, %jit3A_136, %eq3A_137 : i32
      %jit3A_139 = arith.constant 1 : i32
      %select_n3A_140 = arith.select %eq3A_138, %jit3A_139, %jit3A_136 : i32
      %rem3A_141 = arith.remsi %add3A_135, %select_n3A_140 : i32
      %ne3A_142 = arith.constant 0 : i32
      %ne3A_143 = arith.cmpi ne, %rem3A_141, %ne3A_142 : i32
      %lt3A_144 = arith.constant 0 : i32
      %lt3A_145 = arith.cmpi slt, %rem3A_141, %lt3A_144 : i32
      %lt3A_146 = arith.constant 0 : i32
      %lt3A_147 = arith.cmpi slt, %select_n3A_140, %lt3A_146 : i32
      %ne3A_148 = arith.xori %lt3A_145, %lt3A_147 : i1
      %and3A_149 = arith.andi %ne3A_148, %ne3A_143 : i1
      %add3A_150 = arith.addi %rem3A_141, %select_n3A_140 : i32
      %select_n3A_151 = arith.select %and3A_149, %add3A_150, %rem3A_141 : i32
      %add3A_152 = arith.constant 3 : i32
      %add3A_153 = arith.addi %scan3A_123, %add3A_152 : i32
      %jit3A_154 = arith.constant 5 : i32
      %eq3A_155 = arith.constant 0 : i32
      %eq3A_156 = arith.cmpi eq, %jit3A_154, %eq3A_155 : i32
      %jit3A_157 = arith.constant 1 : i32
      %select_n3A_158 = arith.select %eq3A_156, %jit3A_157, %jit3A_154 : i32
      %rem3A_159 = arith.remsi %add3A_153, %select_n3A_158 : i32
      %ne3A_160 = arith.constant 0 : i32
      %ne3A_161 = arith.cmpi ne, %rem3A_159, %ne3A_160 : i32
      %lt3A_162 = arith.constant 0 : i32
      %lt3A_163 = arith.cmpi slt, %rem3A_159, %lt3A_162 : i32
      %lt3A_164 = arith.constant 0 : i32
      %lt3A_165 = arith.cmpi slt, %select_n3A_158, %lt3A_164 : i32
      %ne3A_166 = arith.xori %lt3A_163, %lt3A_165 : i1
      %and3A_167 = arith.andi %ne3A_166, %ne3A_161 : i1
      %add3A_168 = arith.addi %rem3A_159, %select_n3A_158 : i32
      %select_n3A_169 = arith.select %and3A_167, %add3A_168, %rem3A_159 : i32
      %add3A_170 = arith.constant 3 : i32
      %add3A_171 = arith.addi %scan3A_123, %add3A_170 : i32
      %min3A = arith.constant 97 : i32
      %min3A_172 = arith.minsi %add3A_171, %min3A : i32
      %add3A_173 = arith.addi %add3A, %min3A_172 : i32
      %gt3A = arith.constant 1 : i32
      %gt3A_174 = arith.cmpi sgt, %scan3A_123, %gt3A : i32
      %convert_element_type3A_175 = arith.extui %gt3A_174 : i1 to i32
      %cond3A_176 = arith.constant 0 : i32
      %cond3A_177 = arith.cmpi ne, %convert_element_type3A_175, %cond3A_176 : i32
      scf.if %cond3A_177 {
        %dma_wait3A_224 = arith.constant 0 : i32
        %dma_wait3A_225 = arith.constant 0 : i32
        %dma_wait3A_226 = tpu.memref_slice %arg6[%select_n3A_151, %dma_wait3A_224, %dma_wait3A_225] : memref<5x2x128xi32, #tpu.memory_space<vmem>> -> memref<1x1x128xi32, #tpu.memory_space<vmem>>
        %dma_wait3A_227 = tpu.memref_squeeze %dma_wait3A_226 : memref<1x1x128xi32, #tpu.memory_space<vmem>> -> memref<128xi32, #tpu.memory_space<vmem>>
        %dma_wait3A_228 = arith.constant 0 : i32
        %dma_wait3A_229 = arith.constant 0 : i32
        %dma_wait3A_230 = tpu.memref_slice %arg8[%dma_wait3A_228, %dma_wait3A_229] : memref<50048x8xf32, #tpu.memory_space<vmem_shared>> -> memref<50048x8xf32, #tpu.memory_space<vmem_shared>>
        tpu.wait_indirect_dma semaphore(%arg9 : memref<!tpu.dma_semaphore, #tpu.memory_space<semaphore_mem>>) src(%arg7 : memref<128x8xf32, #tpu.memory_space<vmem>>) dst(%dma_wait3A_230 : memref<50048x8xf32, #tpu.memory_space<vmem_shared>>)
        %dma_wait3A_231 = arith.constant 1 : i32
        %dma_wait3A_232 = arith.constant 0 : i32
        %dma_wait3A_233 = tpu.memref_slice %arg6[%select_n3A_151, %dma_wait3A_231, %dma_wait3A_232] : memref<5x2x128xi32, #tpu.memory_space<vmem>> -> memref<1x1x128xi32, #tpu.memory_space<vmem>>
        %dma_wait3A_234 = tpu.memref_squeeze %dma_wait3A_233 : memref<1x1x128xi32, #tpu.memory_space<vmem>> -> memref<128xi32, #tpu.memory_space<vmem>>
        %dma_wait3A_235 = arith.constant 0 : i32
        %dma_wait3A_236 = arith.constant 0 : i32
        %dma_wait3A_237 = tpu.memref_slice %arg8[%dma_wait3A_235, %dma_wait3A_236] : memref<50048x8xf32, #tpu.memory_space<vmem_shared>> -> memref<50048x8xf32, #tpu.memory_space<vmem_shared>>
        tpu.wait_indirect_dma semaphore(%arg9 : memref<!tpu.dma_semaphore, #tpu.memory_space<semaphore_mem>>) src(%arg7 : memref<128x8xf32, #tpu.memory_space<vmem>>) dst(%dma_wait3A_237 : memref<50048x8xf32, #tpu.memory_space<vmem_shared>>)
      } else {
      }
      %dma_start3A_178 = arith.constant 0 : i32
      %dma_start3A_179 = arith.constant 0 : i32
      %dma_start3A_180 = tpu.memref_slice %arg6[%select_n3A_133, %dma_start3A_178, %dma_start3A_179] : memref<5x2x128xi32, #tpu.memory_space<vmem>> -> memref<1x1x128xi32, #tpu.memory_space<vmem>>
      %dma_start3A_181 = tpu.memref_squeeze %dma_start3A_180 : memref<1x1x128xi32, #tpu.memory_space<vmem>> -> memref<128xi32, #tpu.memory_space<vmem>>
      %dma_start3A_182 = arith.constant 0 : i32
      %dma_start3A_183 = arith.constant 0 : i32
      %dma_start3A_184 = tpu.memref_slice %arg8[%dma_start3A_182, %dma_start3A_183] : memref<50048x8xf32, #tpu.memory_space<vmem_shared>> -> memref<50048x8xf32, #tpu.memory_space<vmem_shared>>
      tpu.enqueue_indirect_dma source(%arg7 : memref<128x8xf32, #tpu.memory_space<vmem>>) target(%dma_start3A_184 : memref<50048x8xf32, #tpu.memory_space<vmem_shared>>) offsets(%dma_start3A_181 : memref<128xi32, #tpu.memory_space<vmem>>) semaphore(%arg9 : memref<!tpu.dma_semaphore, #tpu.memory_space<semaphore_mem>>) {add = true}
      %dma_start3A_185 = arith.constant 1 : i32
      %dma_start3A_186 = arith.constant 0 : i32
      %dma_start3A_187 = tpu.memref_slice %arg6[%select_n3A_133, %dma_start3A_185, %dma_start3A_186] : memref<5x2x128xi32, #tpu.memory_space<vmem>> -> memref<1x1x128xi32, #tpu.memory_space<vmem>>
      %dma_start3A_188 = tpu.memref_squeeze %dma_start3A_187 : memref<1x1x128xi32, #tpu.memory_space<vmem>> -> memref<128xi32, #tpu.memory_space<vmem>>
      %dma_start3A_189 = arith.constant 0 : i32
      %dma_start3A_190 = arith.constant 0 : i32
      %dma_start3A_191 = tpu.memref_slice %arg8[%dma_start3A_189, %dma_start3A_190] : memref<50048x8xf32, #tpu.memory_space<vmem_shared>> -> memref<50048x8xf32, #tpu.memory_space<vmem_shared>>
      tpu.enqueue_indirect_dma source(%arg7 : memref<128x8xf32, #tpu.memory_space<vmem>>) target(%dma_start3A_191 : memref<50048x8xf32, #tpu.memory_space<vmem_shared>>) offsets(%dma_start3A_188 : memref<128xi32, #tpu.memory_space<vmem>>) semaphore(%arg9 : memref<!tpu.dma_semaphore, #tpu.memory_space<semaphore_mem>>) {add = true}
      %dma_wait3A_192 = arith.constant 0 : i32
      %dma_wait3A_193 = arith.constant 0 : i32
      %dma_wait3A_194 = tpu.memref_slice %arg6[%select_n3A_169, %dma_wait3A_192, %dma_wait3A_193] : memref<5x2x128xi32, #tpu.memory_space<vmem>> -> memref<1x2x128xi32, #tpu.memory_space<vmem>>
      %dma_wait3A_195 = tpu.memref_squeeze %dma_wait3A_194 : memref<1x2x128xi32, #tpu.memory_space<vmem>> -> memref<2x128xi32, #tpu.memory_space<vmem>>
      %dma_wait3A_196 = arith.constant 0 : i32
      %dma_wait3A_197 = arith.constant 0 : i32
      %dma_wait3A_198 = tpu.memref_slice %arg2[%add3A_173, %dma_wait3A_196, %dma_wait3A_197] : memref<3136x2x128xi32, #tpu.memory_space<hbm>> -> memref<1x2x128xi32, #tpu.memory_space<hbm>>
      %dma_wait3A_199 = tpu.memref_squeeze %dma_wait3A_198 : memref<1x2x128xi32, #tpu.memory_space<hbm>> -> memref<2x128xi32, #tpu.memory_space<hbm>>
      %dma_wait3A_200 = arith.constant 0 : i32
      %dma_wait3A_201 = arith.constant 0 : i32
      %dma_wait3A_202 = tpu.memref_slice %arg6[%select_n3A_169, %dma_wait3A_200, %dma_wait3A_201] : memref<5x2x128xi32, #tpu.memory_space<vmem>> -> memref<1x2x128xi32, #tpu.memory_space<vmem>>
      %dma_wait3A_203 = tpu.memref_squeeze %dma_wait3A_202 : memref<1x2x128xi32, #tpu.memory_space<vmem>> -> memref<2x128xi32, #tpu.memory_space<vmem>>
      %dma_wait3A_204 = arith.constant 0 : i32
      %dma_wait3A_205 = arith.constant 0 : i32
      %dma_wait3A_206 = tpu.memref_slice %arg2[%add3A_173, %dma_wait3A_204, %dma_wait3A_205] : memref<3136x2x128xi32, #tpu.memory_space<hbm>> -> memref<1x2x128xi32, #tpu.memory_space<hbm>>
      %dma_wait3A_207 = tpu.memref_squeeze %dma_wait3A_206 : memref<1x2x128xi32, #tpu.memory_space<hbm>> -> memref<2x128xi32, #tpu.memory_space<hbm>>
      tpu.wait_dma2 semaphore(%arg10 : memref<!tpu.dma_semaphore, #tpu.memory_space<semaphore_mem>>) src(%dma_wait3A_207 : memref<2x128xi32, #tpu.memory_space<hbm>>) dst(%dma_wait3A_203 : memref<2x128xi32, #tpu.memory_space<vmem>>)
      %dma_start3A_208 = arith.constant 0 : i32
      %dma_start3A_209 = arith.constant 0 : i32
      %dma_start3A_210 = tpu.memref_slice %arg6[%select_n3A_169, %dma_start3A_208, %dma_start3A_209] : memref<5x2x128xi32, #tpu.memory_space<vmem>> -> memref<1x2x128xi32, #tpu.memory_space<vmem>>
      %dma_start3A_211 = tpu.memref_squeeze %dma_start3A_210 : memref<1x2x128xi32, #tpu.memory_space<vmem>> -> memref<2x128xi32, #tpu.memory_space<vmem>>
      %dma_start3A_212 = arith.constant 0 : i32
      %dma_start3A_213 = arith.constant 0 : i32
      %dma_start3A_214 = tpu.memref_slice %arg2[%add3A_173, %dma_start3A_212, %dma_start3A_213] : memref<3136x2x128xi32, #tpu.memory_space<hbm>> -> memref<1x2x128xi32, #tpu.memory_space<hbm>>
      %dma_start3A_215 = tpu.memref_squeeze %dma_start3A_214 : memref<1x2x128xi32, #tpu.memory_space<hbm>> -> memref<2x128xi32, #tpu.memory_space<hbm>>
      %dma_start3A_216 = arith.constant 0 : i32
      %dma_start3A_217 = arith.constant 0 : i32
      %dma_start3A_218 = tpu.memref_slice %arg6[%select_n3A_169, %dma_start3A_216, %dma_start3A_217] : memref<5x2x128xi32, #tpu.memory_space<vmem>> -> memref<1x2x128xi32, #tpu.memory_space<vmem>>
      %dma_start3A_219 = tpu.memref_squeeze %dma_start3A_218 : memref<1x2x128xi32, #tpu.memory_space<vmem>> -> memref<2x128xi32, #tpu.memory_space<vmem>>
      %dma_start3A_220 = arith.constant 0 : i32
      %dma_start3A_221 = arith.constant 0 : i32
      %dma_start3A_222 = tpu.memref_slice %arg2[%add3A_173, %dma_start3A_220, %dma_start3A_221] : memref<3136x2x128xi32, #tpu.memory_space<hbm>> -> memref<1x2x128xi32, #tpu.memory_space<hbm>>
      %dma_start3A_223 = tpu.memref_squeeze %dma_start3A_222 : memref<1x2x128xi32, #tpu.memory_space<hbm>> -> memref<2x128xi32, #tpu.memory_space<hbm>>
      tpu.enqueue_dma source(%dma_start3A_223 : memref<2x128xi32, #tpu.memory_space<hbm>>) target(%dma_start3A_219 : memref<2x128xi32, #tpu.memory_space<vmem>>) target_semaphore(%arg10 : memref<!tpu.dma_semaphore, #tpu.memory_space<semaphore_mem>>)
    }
    %scan3A_46 = arith.constant 98 : i32
    %dma_wait3A = arith.constant 1 : i32
    %dma_wait3A_47 = arith.constant 0 : i32
    %dma_wait3A_48 = arith.constant 0 : i32
    %dma_wait3A_49 = tpu.memref_slice %arg6[%dma_wait3A, %dma_wait3A_47, %dma_wait3A_48] : memref<5x2x128xi32, #tpu.memory_space<vmem>> -> memref<1x1x128xi32, #tpu.memory_space<vmem>>
    %dma_wait3A_50 = tpu.memref_squeeze %dma_wait3A_49 : memref<1x1x128xi32, #tpu.memory_space<vmem>> -> memref<128xi32, #tpu.memory_space<vmem>>
    %dma_wait3A_51 = arith.constant 0 : i32
    %dma_wait3A_52 = arith.constant 0 : i32
    %dma_wait3A_53 = tpu.memref_slice %arg8[%dma_wait3A_51, %dma_wait3A_52] : memref<50048x8xf32, #tpu.memory_space<vmem_shared>> -> memref<50048x8xf32, #tpu.memory_space<vmem_shared>>
    tpu.wait_indirect_dma semaphore(%arg9 : memref<!tpu.dma_semaphore, #tpu.memory_space<semaphore_mem>>) src(%arg7 : memref<128x8xf32, #tpu.memory_space<vmem>>) dst(%dma_wait3A_53 : memref<50048x8xf32, #tpu.memory_space<vmem_shared>>)
    %dma_wait3A_54 = arith.constant 1 : i32
    %dma_wait3A_55 = arith.constant 1 : i32
    %dma_wait3A_56 = arith.constant 0 : i32
    %dma_wait3A_57 = tpu.memref_slice %arg6[%dma_wait3A_54, %dma_wait3A_55, %dma_wait3A_56] : memref<5x2x128xi32, #tpu.memory_space<vmem>> -> memref<1x1x128xi32, #tpu.memory_space<vmem>>
    %dma_wait3A_58 = tpu.memref_squeeze %dma_wait3A_57 : memref<1x1x128xi32, #tpu.memory_space<vmem>> -> memref<128xi32, #tpu.memory_space<vmem>>
    %dma_wait3A_59 = arith.constant 0 : i32
    %dma_wait3A_60 = arith.constant 0 : i32
    %dma_wait3A_61 = tpu.memref_slice %arg8[%dma_wait3A_59, %dma_wait3A_60] : memref<50048x8xf32, #tpu.memory_space<vmem_shared>> -> memref<50048x8xf32, #tpu.memory_space<vmem_shared>>
    tpu.wait_indirect_dma semaphore(%arg9 : memref<!tpu.dma_semaphore, #tpu.memory_space<semaphore_mem>>) src(%arg7 : memref<128x8xf32, #tpu.memory_space<vmem>>) dst(%dma_wait3A_61 : memref<50048x8xf32, #tpu.memory_space<vmem_shared>>)
    %dma_wait3A_62 = arith.constant 2 : i32
    %dma_wait3A_63 = arith.constant 0 : i32
    %dma_wait3A_64 = arith.constant 0 : i32
    %dma_wait3A_65 = tpu.memref_slice %arg6[%dma_wait3A_62, %dma_wait3A_63, %dma_wait3A_64] : memref<5x2x128xi32, #tpu.memory_space<vmem>> -> memref<1x1x128xi32, #tpu.memory_space<vmem>>
    %dma_wait3A_66 = tpu.memref_squeeze %dma_wait3A_65 : memref<1x1x128xi32, #tpu.memory_space<vmem>> -> memref<128xi32, #tpu.memory_space<vmem>>
    %dma_wait3A_67 = arith.constant 0 : i32
    %dma_wait3A_68 = arith.constant 0 : i32
    %dma_wait3A_69 = tpu.memref_slice %arg8[%dma_wait3A_67, %dma_wait3A_68] : memref<50048x8xf32, #tpu.memory_space<vmem_shared>> -> memref<50048x8xf32, #tpu.memory_space<vmem_shared>>
    tpu.wait_indirect_dma semaphore(%arg9 : memref<!tpu.dma_semaphore, #tpu.memory_space<semaphore_mem>>) src(%arg7 : memref<128x8xf32, #tpu.memory_space<vmem>>) dst(%dma_wait3A_69 : memref<50048x8xf32, #tpu.memory_space<vmem_shared>>)
    %dma_wait3A_70 = arith.constant 2 : i32
    %dma_wait3A_71 = arith.constant 1 : i32
    %dma_wait3A_72 = arith.constant 0 : i32
    %dma_wait3A_73 = tpu.memref_slice %arg6[%dma_wait3A_70, %dma_wait3A_71, %dma_wait3A_72] : memref<5x2x128xi32, #tpu.memory_space<vmem>> -> memref<1x1x128xi32, #tpu.memory_space<vmem>>
    %dma_wait3A_74 = tpu.memref_squeeze %dma_wait3A_73 : memref<1x1x128xi32, #tpu.memory_space<vmem>> -> memref<128xi32, #tpu.memory_space<vmem>>
    %dma_wait3A_75 = arith.constant 0 : i32
    %dma_wait3A_76 = arith.constant 0 : i32
    %dma_wait3A_77 = tpu.memref_slice %arg8[%dma_wait3A_75, %dma_wait3A_76] : memref<50048x8xf32, #tpu.memory_space<vmem_shared>> -> memref<50048x8xf32, #tpu.memory_space<vmem_shared>>
    tpu.wait_indirect_dma semaphore(%arg9 : memref<!tpu.dma_semaphore, #tpu.memory_space<semaphore_mem>>) src(%arg7 : memref<128x8xf32, #tpu.memory_space<vmem>>) dst(%dma_wait3A_77 : memref<50048x8xf32, #tpu.memory_space<vmem_shared>>)
    %add3A_78 = arith.constant 98 : i32
    %add3A_79 = arith.addi %add3A, %add3A_78 : i32
    %sub3A = arith.constant 1 : i32
    %sub3A_80 = arith.subi %add3A_79, %sub3A : i32
    %dma_wait3A_81 = arith.constant 0 : i32
    %dma_wait3A_82 = arith.constant 0 : i32
    %dma_wait3A_83 = arith.constant 0 : i32
    %dma_wait3A_84 = tpu.memref_slice %arg6[%dma_wait3A_81, %dma_wait3A_82, %dma_wait3A_83] : memref<5x2x128xi32, #tpu.memory_space<vmem>> -> memref<1x2x128xi32, #tpu.memory_space<vmem>>
    %dma_wait3A_85 = tpu.memref_squeeze %dma_wait3A_84 : memref<1x2x128xi32, #tpu.memory_space<vmem>> -> memref<2x128xi32, #tpu.memory_space<vmem>>
    %dma_wait3A_86 = arith.constant 0 : i32
    %dma_wait3A_87 = arith.constant 0 : i32
    %dma_wait3A_88 = tpu.memref_slice %arg2[%sub3A_80, %dma_wait3A_86, %dma_wait3A_87] : memref<3136x2x128xi32, #tpu.memory_space<hbm>> -> memref<1x2x128xi32, #tpu.memory_space<hbm>>
    %dma_wait3A_89 = tpu.memref_squeeze %dma_wait3A_88 : memref<1x2x128xi32, #tpu.memory_space<hbm>> -> memref<2x128xi32, #tpu.memory_space<hbm>>
    %dma_wait3A_90 = arith.constant 0 : i32
    %dma_wait3A_91 = arith.constant 0 : i32
    %dma_wait3A_92 = tpu.memref_slice %arg6[%dma_wait3A_81, %dma_wait3A_90, %dma_wait3A_91] : memref<5x2x128xi32, #tpu.memory_space<vmem>> -> memref<1x2x128xi32, #tpu.memory_space<vmem>>
    %dma_wait3A_93 = tpu.memref_squeeze %dma_wait3A_92 : memref<1x2x128xi32, #tpu.memory_space<vmem>> -> memref<2x128xi32, #tpu.memory_space<vmem>>
    %dma_wait3A_94 = arith.constant 0 : i32
    %dma_wait3A_95 = arith.constant 0 : i32
    %dma_wait3A_96 = tpu.memref_slice %arg2[%sub3A_80, %dma_wait3A_94, %dma_wait3A_95] : memref<3136x2x128xi32, #tpu.memory_space<hbm>> -> memref<1x2x128xi32, #tpu.memory_space<hbm>>
    %dma_wait3A_97 = tpu.memref_squeeze %dma_wait3A_96 : memref<1x2x128xi32, #tpu.memory_space<hbm>> -> memref<2x128xi32, #tpu.memory_space<hbm>>
    tpu.wait_dma2 semaphore(%arg10 : memref<!tpu.dma_semaphore, #tpu.memory_space<semaphore_mem>>) src(%dma_wait3A_97 : memref<2x128xi32, #tpu.memory_space<hbm>>) dst(%dma_wait3A_93 : memref<2x128xi32, #tpu.memory_space<vmem>>)
    %dma_wait3A_98 = arith.constant 1 : i32
    %dma_wait3A_99 = arith.constant 0 : i32
    %dma_wait3A_100 = arith.constant 0 : i32
    %dma_wait3A_101 = tpu.memref_slice %arg6[%dma_wait3A_98, %dma_wait3A_99, %dma_wait3A_100] : memref<5x2x128xi32, #tpu.memory_space<vmem>> -> memref<1x2x128xi32, #tpu.memory_space<vmem>>
    %dma_wait3A_102 = tpu.memref_squeeze %dma_wait3A_101 : memref<1x2x128xi32, #tpu.memory_space<vmem>> -> memref<2x128xi32, #tpu.memory_space<vmem>>
    %dma_wait3A_103 = arith.constant 0 : i32
    %dma_wait3A_104 = arith.constant 0 : i32
    %dma_wait3A_105 = tpu.memref_slice %arg2[%sub3A_80, %dma_wait3A_103, %dma_wait3A_104] : memref<3136x2x128xi32, #tpu.memory_space<hbm>> -> memref<1x2x128xi32, #tpu.memory_space<hbm>>
    %dma_wait3A_106 = tpu.memref_squeeze %dma_wait3A_105 : memref<1x2x128xi32, #tpu.memory_space<hbm>> -> memref<2x128xi32, #tpu.memory_space<hbm>>
    %dma_wait3A_107 = arith.constant 0 : i32
    %dma_wait3A_108 = arith.constant 0 : i32
    %dma_wait3A_109 = tpu.memref_slice %arg6[%dma_wait3A_98, %dma_wait3A_107, %dma_wait3A_108] : memref<5x2x128xi32, #tpu.memory_space<vmem>> -> memref<1x2x128xi32, #tpu.memory_space<vmem>>
    %dma_wait3A_110 = tpu.memref_squeeze %dma_wait3A_109 : memref<1x2x128xi32, #tpu.memory_space<vmem>> -> memref<2x128xi32, #tpu.memory_space<vmem>>
    %dma_wait3A_111 = arith.constant 0 : i32
    %dma_wait3A_112 = arith.constant 0 : i32
    %dma_wait3A_113 = tpu.memref_slice %arg2[%sub3A_80, %dma_wait3A_111, %dma_wait3A_112] : memref<3136x2x128xi32, #tpu.memory_space<hbm>> -> memref<1x2x128xi32, #tpu.memory_space<hbm>>
    %dma_wait3A_114 = tpu.memref_squeeze %dma_wait3A_113 : memref<1x2x128xi32, #tpu.memory_space<hbm>> -> memref<2x128xi32, #tpu.memory_space<hbm>>
    tpu.wait_dma2 semaphore(%arg10 : memref<!tpu.dma_semaphore, #tpu.memory_space<semaphore_mem>>) src(%dma_wait3A_114 : memref<2x128xi32, #tpu.memory_space<hbm>>) dst(%dma_wait3A_110 : memref<2x128xi32, #tpu.memory_space<vmem>>)
    %barrier3A_115 = arith.constant 0 : index
    tpu.barrier barrier_id(%barrier3A_115)
    %eq3A = arith.constant 0 : i32
    %eq3A_116 = arith.cmpi eq, %arg0, %eq3A : i32
    %convert_element_type3A = arith.extui %eq3A_116 : i1 to i32
    %cond3A = arith.constant 0 : i32
    %cond3A_117 = arith.cmpi ne, %convert_element_type3A, %cond3A : i32
    scf.if %cond3A_117 {
      %run_scoped3A_123 = arith.constant 0 : i32
      "tpu.region"() ({
        %run_scoped3A_124 = tpu.sem_alloc : memref<!tpu.dma_semaphore, #tpu.memory_space<semaphore_mem>>
        %dma_start3A_125 = arith.constant 0 : i32
        %dma_start3A_126 = tpu.memref_slice %arg5[%run_scoped3A_123, %mul3A_0, %dma_start3A_125] : memref<2x50048x8xf32, #tpu.memory_space<hbm>> -> memref<1x3128x8xf32, #tpu.memory_space<hbm>>
        %dma_start3A_127 = tpu.memref_squeeze %dma_start3A_126 : memref<1x3128x8xf32, #tpu.memory_space<hbm>> -> memref<3128x8xf32, #tpu.memory_space<hbm>>
        %dma_start3A_128 = arith.constant 0 : i32
        %dma_start3A_129 = tpu.memref_slice %arg8[%mul3A_0, %dma_start3A_128] : memref<50048x8xf32, #tpu.memory_space<vmem_shared>> -> memref<3128x8xf32, #tpu.memory_space<vmem_shared>>
        tpu.enqueue_dma source(%dma_start3A_129 : memref<3128x8xf32, #tpu.memory_space<vmem_shared>>) target(%dma_start3A_127 : memref<3128x8xf32, #tpu.memory_space<hbm>>) target_semaphore(%run_scoped3A_124 : memref<!tpu.dma_semaphore, #tpu.memory_space<semaphore_mem>>)
        %dma_wait3A_130 = arith.constant 0 : i32
        %dma_wait3A_131 = tpu.memref_slice %arg5[%run_scoped3A_123, %mul3A_0, %dma_wait3A_130] : memref<2x50048x8xf32, #tpu.memory_space<hbm>> -> memref<1x3128x8xf32, #tpu.memory_space<hbm>>
        %dma_wait3A_132 = tpu.memref_squeeze %dma_wait3A_131 : memref<1x3128x8xf32, #tpu.memory_space<hbm>> -> memref<3128x8xf32, #tpu.memory_space<hbm>>
        %dma_wait3A_133 = arith.constant 0 : i32
        %dma_wait3A_134 = tpu.memref_slice %arg8[%mul3A_0, %dma_wait3A_133] : memref<50048x8xf32, #tpu.memory_space<vmem_shared>> -> memref<3128x8xf32, #tpu.memory_space<vmem_shared>>
        tpu.wait_dma2 semaphore(%run_scoped3A_124 : memref<!tpu.dma_semaphore, #tpu.memory_space<semaphore_mem>>) src(%dma_wait3A_134 : memref<3128x8xf32, #tpu.memory_space<vmem_shared>>) dst(%dma_wait3A_132 : memref<3128x8xf32, #tpu.memory_space<hbm>>)
        tpu.yield
      }) : () -> ()
    } else {
    }
    %eq3A_118 = arith.constant 1 : i32
    %eq3A_119 = arith.cmpi eq, %arg0, %eq3A_118 : i32
    %convert_element_type3A_120 = arith.extui %eq3A_119 : i1 to i32
    %cond3A_121 = arith.constant 0 : i32
    %cond3A_122 = arith.cmpi ne, %convert_element_type3A_120, %cond3A_121 : i32
    scf.if %cond3A_122 {
      %run_scoped3A_123 = arith.constant 1 : i32
      "tpu.region"() ({
        %run_scoped3A_124 = tpu.sem_alloc : memref<!tpu.dma_semaphore, #tpu.memory_space<semaphore_mem>>
        %dma_start3A_125 = arith.constant 0 : i32
        %dma_start3A_126 = tpu.memref_slice %arg5[%run_scoped3A_123, %mul3A_0, %dma_start3A_125] : memref<2x50048x8xf32, #tpu.memory_space<hbm>> -> memref<1x3128x8xf32, #tpu.memory_space<hbm>>
        %dma_start3A_127 = tpu.memref_squeeze %dma_start3A_126 : memref<1x3128x8xf32, #tpu.memory_space<hbm>> -> memref<3128x8xf32, #tpu.memory_space<hbm>>
        %dma_start3A_128 = arith.constant 0 : i32
        %dma_start3A_129 = tpu.memref_slice %arg8[%mul3A_0, %dma_start3A_128] : memref<50048x8xf32, #tpu.memory_space<vmem_shared>> -> memref<3128x8xf32, #tpu.memory_space<vmem_shared>>
        tpu.enqueue_dma source(%dma_start3A_129 : memref<3128x8xf32, #tpu.memory_space<vmem_shared>>) target(%dma_start3A_127 : memref<3128x8xf32, #tpu.memory_space<hbm>>) target_semaphore(%run_scoped3A_124 : memref<!tpu.dma_semaphore, #tpu.memory_space<semaphore_mem>>)
        %dma_wait3A_130 = arith.constant 0 : i32
        %dma_wait3A_131 = tpu.memref_slice %arg5[%run_scoped3A_123, %mul3A_0, %dma_wait3A_130] : memref<2x50048x8xf32, #tpu.memory_space<hbm>> -> memref<1x3128x8xf32, #tpu.memory_space<hbm>>
        %dma_wait3A_132 = tpu.memref_squeeze %dma_wait3A_131 : memref<1x3128x8xf32, #tpu.memory_space<hbm>> -> memref<3128x8xf32, #tpu.memory_space<hbm>>
        %dma_wait3A_133 = arith.constant 0 : i32
        %dma_wait3A_134 = tpu.memref_slice %arg8[%mul3A_0, %dma_wait3A_133] : memref<50048x8xf32, #tpu.memory_space<vmem_shared>> -> memref<3128x8xf32, #tpu.memory_space<vmem_shared>>
        tpu.wait_dma2 semaphore(%run_scoped3A_124 : memref<!tpu.dma_semaphore, #tpu.memory_space<semaphore_mem>>) src(%dma_wait3A_134 : memref<3128x8xf32, #tpu.memory_space<vmem_shared>>) dst(%dma_wait3A_132 : memref<3128x8xf32, #tpu.memory_space<hbm>>)
        tpu.yield
      }) : () -> ()
    } else {
    }
    return
  }
}

#map = affine_map<(d0, d1) -> (0, 0, 0)>
#map1 = affine_map<(d0, d1) -> (0, 0)>
module attributes {stable_mosaic.version = 14 : i64} {
  func.func @_sc_sum_body(%arg0: i32, %arg1: i32, %arg2: memref<3136x2x128xi32, #tpu.memory_space<hbm>>, %arg3: memref<3136x2x128xi32, #tpu.memory_space<hbm>>, %arg4: memref<50000x32xf32, #tpu.memory_space<hbm>>, %arg5: memref<50000x32xf32, #tpu.memory_space<hbm>>, %arg6: memref<3128x32xf32, #tpu.memory_space<hbm>>, %arg7: memref<50048x32xf32, #tpu.memory_space<hbm>>, %arg8: memref<50048x32xf32, #tpu.memory_space<hbm>>, %arg9: memref<4x2x128xi32, #tpu.memory_space<vmem>>, %arg10: memref<4x2x128xi32, #tpu.memory_space<vmem>>, %arg11: memref<3x2x128x32xf32, #tpu.memory_space<vmem>>, %arg12: memref<50048x32xf32, #tpu.memory_space<vmem_shared>>, %arg13: memref<!tpu.dma_semaphore, #tpu.memory_space<semaphore_mem>>, %arg14: memref<!tpu.dma_semaphore, #tpu.memory_space<semaphore_mem>>, %arg15: memref<!tpu.dma_semaphore, #tpu.memory_space<semaphore_mem>>) attributes {dimension_semantics = [#tpu.dimension_semantics<core_parallel>, #tpu.dimension_semantics<subcore_parallel>], iteration_bounds = array<i64: 2, 16>, scalar_prefetch = 0 : i64, scratch_operands = 7 : i64, tpu.core_type = #tpu.core_type<sc_vector_subcore>, window_params = [{transform_indices = #map}, {transform_indices = #map}, {transform_indices = #map1}, {transform_indices = #map1}, {transform_indices = #map1}, {transform_indices = #map1}, {transform_indices = #map1}]} {
    %mul3A = arith.constant 3128 : i32
    %mul3A_0 = arith.muli %arg1, %mul3A : i32
    "tpu.region"() ({
      %run_scoped3A_283 = tpu.sem_alloc : memref<!tpu.dma_semaphore, #tpu.memory_space<semaphore_mem>>
      %dma_start3A_284 = arith.constant 0 : i32
      %dma_start3A_285 = tpu.memref_slice %arg12[%mul3A_0, %dma_start3A_284] : memref<50048x32xf32, #tpu.memory_space<vmem_shared>> -> memref<3128x32xf32, #tpu.memory_space<vmem_shared>>
      tpu.enqueue_dma source(%arg6 : memref<3128x32xf32, #tpu.memory_space<hbm>>) target(%dma_start3A_285 : memref<3128x32xf32, #tpu.memory_space<vmem_shared>>) target_semaphore(%run_scoped3A_283 : memref<!tpu.dma_semaphore, #tpu.memory_space<semaphore_mem>>)
      %dma_wait3A_286 = arith.constant 0 : i32
      %dma_wait3A_287 = tpu.memref_slice %arg12[%mul3A_0, %dma_wait3A_286] : memref<50048x32xf32, #tpu.memory_space<vmem_shared>> -> memref<3128x32xf32, #tpu.memory_space<vmem_shared>>
      tpu.wait_dma2 semaphore(%run_scoped3A_283 : memref<!tpu.dma_semaphore, #tpu.memory_space<semaphore_mem>>) src(%arg6 : memref<3128x32xf32, #tpu.memory_space<hbm>>) dst(%dma_wait3A_287 : memref<3128x32xf32, #tpu.memory_space<vmem_shared>>)
      tpu.yield
    }) : () -> ()
    %barrier3A = arith.constant 0 : index
    tpu.barrier barrier_id(%barrier3A)
    %mul3A_1 = arith.constant 196 : i32
    %mul3A_2 = arith.muli %arg1, %mul3A_1 : i32
    %run_scoped3A = arith.constant 0 : i32
    "tpu.region"() ({
      %run_scoped3A_283 = tpu.sem_alloc : memref<!tpu.dma_semaphore, #tpu.memory_space<semaphore_mem>>
      %dma_start3A_284 = arith.constant 0 : i32
      %dma_start3A_285 = arith.constant 0 : i32
      %dma_start3A_286 = tpu.memref_slice %arg9[%run_scoped3A, %dma_start3A_284, %dma_start3A_285] : memref<4x2x128xi32, #tpu.memory_space<vmem>> -> memref<1x2x128xi32, #tpu.memory_space<vmem>>
      %dma_start3A_287 = tpu.memref_squeeze %dma_start3A_286 : memref<1x2x128xi32, #tpu.memory_space<vmem>> -> memref<2x128xi32, #tpu.memory_space<vmem>>
      %dma_start3A_288 = arith.constant 0 : i32
      %dma_start3A_289 = arith.constant 0 : i32
      %dma_start3A_290 = tpu.memref_slice %arg2[%mul3A_2, %dma_start3A_288, %dma_start3A_289] : memref<3136x2x128xi32, #tpu.memory_space<hbm>> -> memref<1x2x128xi32, #tpu.memory_space<hbm>>
      %dma_start3A_291 = tpu.memref_squeeze %dma_start3A_290 : memref<1x2x128xi32, #tpu.memory_space<hbm>> -> memref<2x128xi32, #tpu.memory_space<hbm>>
      %dma_start3A_292 = arith.constant 0 : i32
      %dma_start3A_293 = arith.constant 0 : i32
      %dma_start3A_294 = tpu.memref_slice %arg9[%run_scoped3A, %dma_start3A_292, %dma_start3A_293] : memref<4x2x128xi32, #tpu.memory_space<vmem>> -> memref<1x2x128xi32, #tpu.memory_space<vmem>>
      %dma_start3A_295 = tpu.memref_squeeze %dma_start3A_294 : memref<1x2x128xi32, #tpu.memory_space<vmem>> -> memref<2x128xi32, #tpu.memory_space<vmem>>
      %dma_start3A_296 = arith.constant 0 : i32
      %dma_start3A_297 = arith.constant 0 : i32
      %dma_start3A_298 = tpu.memref_slice %arg2[%mul3A_2, %dma_start3A_296, %dma_start3A_297] : memref<3136x2x128xi32, #tpu.memory_space<hbm>> -> memref<1x2x128xi32, #tpu.memory_space<hbm>>
      %dma_start3A_299 = tpu.memref_squeeze %dma_start3A_298 : memref<1x2x128xi32, #tpu.memory_space<hbm>> -> memref<2x128xi32, #tpu.memory_space<hbm>>
      tpu.enqueue_dma source(%dma_start3A_299 : memref<2x128xi32, #tpu.memory_space<hbm>>) target(%dma_start3A_295 : memref<2x128xi32, #tpu.memory_space<vmem>>) target_semaphore(%run_scoped3A_283 : memref<!tpu.dma_semaphore, #tpu.memory_space<semaphore_mem>>)
      %dma_wait3A_300 = arith.constant 0 : i32
      %dma_wait3A_301 = arith.constant 0 : i32
      %dma_wait3A_302 = tpu.memref_slice %arg9[%run_scoped3A, %dma_wait3A_300, %dma_wait3A_301] : memref<4x2x128xi32, #tpu.memory_space<vmem>> -> memref<1x2x128xi32, #tpu.memory_space<vmem>>
      %dma_wait3A_303 = tpu.memref_squeeze %dma_wait3A_302 : memref<1x2x128xi32, #tpu.memory_space<vmem>> -> memref<2x128xi32, #tpu.memory_space<vmem>>
      %dma_wait3A_304 = arith.constant 0 : i32
      %dma_wait3A_305 = arith.constant 0 : i32
      %dma_wait3A_306 = tpu.memref_slice %arg2[%mul3A_2, %dma_wait3A_304, %dma_wait3A_305] : memref<3136x2x128xi32, #tpu.memory_space<hbm>> -> memref<1x2x128xi32, #tpu.memory_space<hbm>>
      %dma_wait3A_307 = tpu.memref_squeeze %dma_wait3A_306 : memref<1x2x128xi32, #tpu.memory_space<hbm>> -> memref<2x128xi32, #tpu.memory_space<hbm>>
      %dma_wait3A_308 = arith.constant 0 : i32
      %dma_wait3A_309 = arith.constant 0 : i32
      %dma_wait3A_310 = tpu.memref_slice %arg9[%run_scoped3A, %dma_wait3A_308, %dma_wait3A_309] : memref<4x2x128xi32, #tpu.memory_space<vmem>> -> memref<1x2x128xi32, #tpu.memory_space<vmem>>
      %dma_wait3A_311 = tpu.memref_squeeze %dma_wait3A_310 : memref<1x2x128xi32, #tpu.memory_space<vmem>> -> memref<2x128xi32, #tpu.memory_space<vmem>>
      %dma_wait3A_312 = arith.constant 0 : i32
      %dma_wait3A_313 = arith.constant 0 : i32
      %dma_wait3A_314 = tpu.memref_slice %arg2[%mul3A_2, %dma_wait3A_312, %dma_wait3A_313] : memref<3136x2x128xi32, #tpu.memory_space<hbm>> -> memref<1x2x128xi32, #tpu.memory_space<hbm>>
      %dma_wait3A_315 = tpu.memref_squeeze %dma_wait3A_314 : memref<1x2x128xi32, #tpu.memory_space<hbm>> -> memref<2x128xi32, #tpu.memory_space<hbm>>
      tpu.wait_dma2 semaphore(%run_scoped3A_283 : memref<!tpu.dma_semaphore, #tpu.memory_space<semaphore_mem>>) src(%dma_wait3A_315 : memref<2x128xi32, #tpu.memory_space<hbm>>) dst(%dma_wait3A_311 : memref<2x128xi32, #tpu.memory_space<vmem>>)
      tpu.yield
    }) : () -> ()
    %run_scoped3A_3 = arith.constant 0 : i32
    "tpu.region"() ({
      %run_scoped3A_283 = tpu.sem_alloc : memref<!tpu.dma_semaphore, #tpu.memory_space<semaphore_mem>>
      %dma_start3A_284 = arith.constant 0 : i32
      %dma_start3A_285 = arith.constant 0 : i32
      %dma_start3A_286 = tpu.memref_slice %arg10[%run_scoped3A_3, %dma_start3A_284, %dma_start3A_285] : memref<4x2x128xi32, #tpu.memory_space<vmem>> -> memref<1x2x128xi32, #tpu.memory_space<vmem>>
      %dma_start3A_287 = tpu.memref_squeeze %dma_start3A_286 : memref<1x2x128xi32, #tpu.memory_space<vmem>> -> memref<2x128xi32, #tpu.memory_space<vmem>>
      %dma_start3A_288 = arith.constant 0 : i32
      %dma_start3A_289 = arith.constant 0 : i32
      %dma_start3A_290 = tpu.memref_slice %arg3[%mul3A_2, %dma_start3A_288, %dma_start3A_289] : memref<3136x2x128xi32, #tpu.memory_space<hbm>> -> memref<1x2x128xi32, #tpu.memory_space<hbm>>
      %dma_start3A_291 = tpu.memref_squeeze %dma_start3A_290 : memref<1x2x128xi32, #tpu.memory_space<hbm>> -> memref<2x128xi32, #tpu.memory_space<hbm>>
      %dma_start3A_292 = arith.constant 0 : i32
      %dma_start3A_293 = arith.constant 0 : i32
      %dma_start3A_294 = tpu.memref_slice %arg10[%run_scoped3A_3, %dma_start3A_292, %dma_start3A_293] : memref<4x2x128xi32, #tpu.memory_space<vmem>> -> memref<1x2x128xi32, #tpu.memory_space<vmem>>
      %dma_start3A_295 = tpu.memref_squeeze %dma_start3A_294 : memref<1x2x128xi32, #tpu.memory_space<vmem>> -> memref<2x128xi32, #tpu.memory_space<vmem>>
      %dma_start3A_296 = arith.constant 0 : i32
      %dma_start3A_297 = arith.constant 0 : i32
      %dma_start3A_298 = tpu.memref_slice %arg3[%mul3A_2, %dma_start3A_296, %dma_start3A_297] : memref<3136x2x128xi32, #tpu.memory_space<hbm>> -> memref<1x2x128xi32, #tpu.memory_space<hbm>>
      %dma_start3A_299 = tpu.memref_squeeze %dma_start3A_298 : memref<1x2x128xi32, #tpu.memory_space<hbm>> -> memref<2x128xi32, #tpu.memory_space<hbm>>
      tpu.enqueue_dma source(%dma_start3A_299 : memref<2x128xi32, #tpu.memory_space<hbm>>) target(%dma_start3A_295 : memref<2x128xi32, #tpu.memory_space<vmem>>) target_semaphore(%run_scoped3A_283 : memref<!tpu.dma_semaphore, #tpu.memory_space<semaphore_mem>>)
      %dma_wait3A_300 = arith.constant 0 : i32
      %dma_wait3A_301 = arith.constant 0 : i32
      %dma_wait3A_302 = tpu.memref_slice %arg10[%run_scoped3A_3, %dma_wait3A_300, %dma_wait3A_301] : memref<4x2x128xi32, #tpu.memory_space<vmem>> -> memref<1x2x128xi32, #tpu.memory_space<vmem>>
      %dma_wait3A_303 = tpu.memref_squeeze %dma_wait3A_302 : memref<1x2x128xi32, #tpu.memory_space<vmem>> -> memref<2x128xi32, #tpu.memory_space<vmem>>
      %dma_wait3A_304 = arith.constant 0 : i32
      %dma_wait3A_305 = arith.constant 0 : i32
      %dma_wait3A_306 = tpu.memref_slice %arg3[%mul3A_2, %dma_wait3A_304, %dma_wait3A_305] : memref<3136x2x128xi32, #tpu.memory_space<hbm>> -> memref<1x2x128xi32, #tpu.memory_space<hbm>>
      %dma_wait3A_307 = tpu.memref_squeeze %dma_wait3A_306 : memref<1x2x128xi32, #tpu.memory_space<hbm>> -> memref<2x128xi32, #tpu.memory_space<hbm>>
      %dma_wait3A_308 = arith.constant 0 : i32
      %dma_wait3A_309 = arith.constant 0 : i32
      %dma_wait3A_310 = tpu.memref_slice %arg10[%run_scoped3A_3, %dma_wait3A_308, %dma_wait3A_309] : memref<4x2x128xi32, #tpu.memory_space<vmem>> -> memref<1x2x128xi32, #tpu.memory_space<vmem>>
      %dma_wait3A_311 = tpu.memref_squeeze %dma_wait3A_310 : memref<1x2x128xi32, #tpu.memory_space<vmem>> -> memref<2x128xi32, #tpu.memory_space<vmem>>
      %dma_wait3A_312 = arith.constant 0 : i32
      %dma_wait3A_313 = arith.constant 0 : i32
      %dma_wait3A_314 = tpu.memref_slice %arg3[%mul3A_2, %dma_wait3A_312, %dma_wait3A_313] : memref<3136x2x128xi32, #tpu.memory_space<hbm>> -> memref<1x2x128xi32, #tpu.memory_space<hbm>>
      %dma_wait3A_315 = tpu.memref_squeeze %dma_wait3A_314 : memref<1x2x128xi32, #tpu.memory_space<hbm>> -> memref<2x128xi32, #tpu.memory_space<hbm>>
      tpu.wait_dma2 semaphore(%run_scoped3A_283 : memref<!tpu.dma_semaphore, #tpu.memory_space<semaphore_mem>>) src(%dma_wait3A_315 : memref<2x128xi32, #tpu.memory_space<hbm>>) dst(%dma_wait3A_311 : memref<2x128xi32, #tpu.memory_space<vmem>>)
      tpu.yield
    }) : () -> ()
    %add3A = arith.constant 1 : i32
    %add3A_4 = arith.addi %mul3A_2, %add3A : i32
    %dma_start3A = arith.constant 1 : i32
    %dma_start3A_5 = arith.constant 0 : i32
    %dma_start3A_6 = arith.constant 0 : i32
    %dma_start3A_7 = tpu.memref_slice %arg9[%dma_start3A, %dma_start3A_5, %dma_start3A_6] : memref<4x2x128xi32, #tpu.memory_space<vmem>> -> memref<1x2x128xi32, #tpu.memory_space<vmem>>
    %dma_start3A_8 = tpu.memref_squeeze %dma_start3A_7 : memref<1x2x128xi32, #tpu.memory_space<vmem>> -> memref<2x128xi32, #tpu.memory_space<vmem>>
    %dma_start3A_9 = arith.constant 0 : i32
    %dma_start3A_10 = arith.constant 0 : i32
    %dma_start3A_11 = tpu.memref_slice %arg2[%add3A_4, %dma_start3A_9, %dma_start3A_10] : memref<3136x2x128xi32, #tpu.memory_space<hbm>> -> memref<1x2x128xi32, #tpu.memory_space<hbm>>
    %dma_start3A_12 = tpu.memref_squeeze %dma_start3A_11 : memref<1x2x128xi32, #tpu.memory_space<hbm>> -> memref<2x128xi32, #tpu.memory_space<hbm>>
    %dma_start3A_13 = arith.constant 0 : i32
    %dma_start3A_14 = arith.constant 0 : i32
    %dma_start3A_15 = tpu.memref_slice %arg9[%dma_start3A, %dma_start3A_13, %dma_start3A_14] : memref<4x2x128xi32, #tpu.memory_space<vmem>> -> memref<1x2x128xi32, #tpu.memory_space<vmem>>
    %dma_start3A_16 = tpu.memref_squeeze %dma_start3A_15 : memref<1x2x128xi32, #tpu.memory_space<vmem>> -> memref<2x128xi32, #tpu.memory_space<vmem>>
    %dma_start3A_17 = arith.constant 0 : i32
    %dma_start3A_18 = arith.constant 0 : i32
    %dma_start3A_19 = tpu.memref_slice %arg2[%add3A_4, %dma_start3A_17, %dma_start3A_18] : memref<3136x2x128xi32, #tpu.memory_space<hbm>> -> memref<1x2x128xi32, #tpu.memory_space<hbm>>
    %dma_start3A_20 = tpu.memref_squeeze %dma_start3A_19 : memref<1x2x128xi32, #tpu.memory_space<hbm>> -> memref<2x128xi32, #tpu.memory_space<hbm>>
    tpu.enqueue_dma source(%dma_start3A_20 : memref<2x128xi32, #tpu.memory_space<hbm>>) target(%dma_start3A_16 : memref<2x128xi32, #tpu.memory_space<vmem>>) target_semaphore(%arg15 : memref<!tpu.dma_semaphore, #tpu.memory_space<semaphore_mem>>)
    %dma_start3A_21 = arith.constant 1 : i32
    %dma_start3A_22 = arith.constant 0 : i32
    %dma_start3A_23 = arith.constant 0 : i32
    %dma_start3A_24 = tpu.memref_slice %arg10[%dma_start3A_21, %dma_start3A_22, %dma_start3A_23] : memref<4x2x128xi32, #tpu.memory_space<vmem>> -> memref<1x2x128xi32, #tpu.memory_space<vmem>>
    %dma_start3A_25 = tpu.memref_squeeze %dma_start3A_24 : memref<1x2x128xi32, #tpu.memory_space<vmem>> -> memref<2x128xi32, #tpu.memory_space<vmem>>
    %dma_start3A_26 = arith.constant 0 : i32
    %dma_start3A_27 = arith.constant 0 : i32
    %dma_start3A_28 = tpu.memref_slice %arg3[%add3A_4, %dma_start3A_26, %dma_start3A_27] : memref<3136x2x128xi32, #tpu.memory_space<hbm>> -> memref<1x2x128xi32, #tpu.memory_space<hbm>>
    %dma_start3A_29 = tpu.memref_squeeze %dma_start3A_28 : memref<1x2x128xi32, #tpu.memory_space<hbm>> -> memref<2x128xi32, #tpu.memory_space<hbm>>
    %dma_start3A_30 = arith.constant 0 : i32
    %dma_start3A_31 = arith.constant 0 : i32
    %dma_start3A_32 = tpu.memref_slice %arg10[%dma_start3A_21, %dma_start3A_30, %dma_start3A_31] : memref<4x2x128xi32, #tpu.memory_space<vmem>> -> memref<1x2x128xi32, #tpu.memory_space<vmem>>
    %dma_start3A_33 = tpu.memref_squeeze %dma_start3A_32 : memref<1x2x128xi32, #tpu.memory_space<vmem>> -> memref<2x128xi32, #tpu.memory_space<vmem>>
    %dma_start3A_34 = arith.constant 0 : i32
    %dma_start3A_35 = arith.constant 0 : i32
    %dma_start3A_36 = tpu.memref_slice %arg3[%add3A_4, %dma_start3A_34, %dma_start3A_35] : memref<3136x2x128xi32, #tpu.memory_space<hbm>> -> memref<1x2x128xi32, #tpu.memory_space<hbm>>
    %dma_start3A_37 = tpu.memref_squeeze %dma_start3A_36 : memref<1x2x128xi32, #tpu.memory_space<hbm>> -> memref<2x128xi32, #tpu.memory_space<hbm>>
    tpu.enqueue_dma source(%dma_start3A_37 : memref<2x128xi32, #tpu.memory_space<hbm>>) target(%dma_start3A_33 : memref<2x128xi32, #tpu.memory_space<vmem>>) target_semaphore(%arg15 : memref<!tpu.dma_semaphore, #tpu.memory_space<semaphore_mem>>)
    %eq3A = arith.constant 0 : i32
    %eq3A_38 = arith.cmpi eq, %arg0, %eq3A : i32
    %convert_element_type3A = arith.extui %eq3A_38 : i1 to i32
    %cond3A = arith.constant 0 : i32
    %cond3A_39 = arith.cmpi ne, %convert_element_type3A, %cond3A : i32
    scf.if %cond3A_39 {
      %dma_start3A_283 = arith.constant 0 : i32
      %dma_start3A_284 = arith.constant 0 : i32
      %dma_start3A_285 = arith.constant 0 : i32
      %dma_start3A_286 = arith.constant 0 : i32
      %dma_start3A_287 = arith.constant 0 : i32
      %dma_start3A_288 = arith.constant 0 : i32
      %dma_start3A_289 = tpu.memref_slice %arg11[%dma_start3A_285, %dma_start3A_286, %dma_start3A_287, %dma_start3A_288] : memref<3x2x128x32xf32, #tpu.memory_space<vmem>> -> memref<1x1x128x32xf32, #tpu.memory_space<vmem>>
      %dma_start3A_290 = tpu.memref_squeeze %dma_start3A_289 : memref<1x1x128x32xf32, #tpu.memory_space<vmem>> -> memref<128x32xf32, #tpu.memory_space<vmem>>
      %dma_start3A_291 = arith.constant 0 : i32
      %dma_start3A_292 = tpu.memref_slice %arg9[%dma_start3A_283, %dma_start3A_284, %dma_start3A_291] : memref<4x2x128xi32, #tpu.memory_space<vmem>> -> memref<1x1x128xi32, #tpu.memory_space<vmem>>
      %dma_start3A_293 = tpu.memref_squeeze %dma_start3A_292 : memref<1x1x128xi32, #tpu.memory_space<vmem>> -> memref<128xi32, #tpu.memory_space<vmem>>
      %dma_start3A_294 = arith.constant 0 : i32
      %dma_start3A_295 = arith.constant 0 : i32
      %dma_start3A_296 = tpu.memref_slice %arg4[%dma_start3A_294, %dma_start3A_295] : memref<50000x32xf32, #tpu.memory_space<hbm>> -> memref<50000x32xf32, #tpu.memory_space<hbm>>
      tpu.enqueue_indirect_dma source(%dma_start3A_296 : memref<50000x32xf32, #tpu.memory_space<hbm>>) target(%dma_start3A_290 : memref<128x32xf32, #tpu.memory_space<vmem>>) offsets(%dma_start3A_293 : memref<128xi32, #tpu.memory_space<vmem>>) semaphore(%arg13 : memref<!tpu.dma_semaphore, #tpu.memory_space<semaphore_mem>>)
    } else {
    }
    %eq3A_40 = arith.constant 1 : i32
    %eq3A_41 = arith.cmpi eq, %arg0, %eq3A_40 : i32
    %convert_element_type3A_42 = arith.extui %eq3A_41 : i1 to i32
    %cond3A_43 = arith.constant 0 : i32
    %cond3A_44 = arith.cmpi ne, %convert_element_type3A_42, %cond3A_43 : i32
    scf.if %cond3A_44 {
      %dma_start3A_283 = arith.constant 0 : i32
      %dma_start3A_284 = arith.constant 0 : i32
      %dma_start3A_285 = arith.constant 0 : i32
      %dma_start3A_286 = arith.constant 0 : i32
      %dma_start3A_287 = arith.constant 0 : i32
      %dma_start3A_288 = arith.constant 0 : i32
      %dma_start3A_289 = tpu.memref_slice %arg11[%dma_start3A_285, %dma_start3A_286, %dma_start3A_287, %dma_start3A_288] : memref<3x2x128x32xf32, #tpu.memory_space<vmem>> -> memref<1x1x128x32xf32, #tpu.memory_space<vmem>>
      %dma_start3A_290 = tpu.memref_squeeze %dma_start3A_289 : memref<1x1x128x32xf32, #tpu.memory_space<vmem>> -> memref<128x32xf32, #tpu.memory_space<vmem>>
      %dma_start3A_291 = arith.constant 0 : i32
      %dma_start3A_292 = tpu.memref_slice %arg9[%dma_start3A_283, %dma_start3A_284, %dma_start3A_291] : memref<4x2x128xi32, #tpu.memory_space<vmem>> -> memref<1x1x128xi32, #tpu.memory_space<vmem>>
      %dma_start3A_293 = tpu.memref_squeeze %dma_start3A_292 : memref<1x1x128xi32, #tpu.memory_space<vmem>> -> memref<128xi32, #tpu.memory_space<vmem>>
      %dma_start3A_294 = arith.constant 0 : i32
      %dma_start3A_295 = arith.constant 0 : i32
      %dma_start3A_296 = tpu.memref_slice %arg5[%dma_start3A_294, %dma_start3A_295] : memref<50000x32xf32, #tpu.memory_space<hbm>> -> memref<50000x32xf32, #tpu.memory_space<hbm>>
      tpu.enqueue_indirect_dma source(%dma_start3A_296 : memref<50000x32xf32, #tpu.memory_space<hbm>>) target(%dma_start3A_290 : memref<128x32xf32, #tpu.memory_space<vmem>>) offsets(%dma_start3A_293 : memref<128xi32, #tpu.memory_space<vmem>>) semaphore(%arg13 : memref<!tpu.dma_semaphore, #tpu.memory_space<semaphore_mem>>)
    } else {
    }
    %eq3A_45 = arith.constant 0 : i32
    %eq3A_46 = arith.cmpi eq, %arg0, %eq3A_45 : i32
    %convert_element_type3A_47 = arith.extui %eq3A_46 : i1 to i32
    %cond3A_48 = arith.constant 0 : i32
    %cond3A_49 = arith.cmpi ne, %convert_element_type3A_47, %cond3A_48 : i32
    scf.if %cond3A_49 {
      %dma_start3A_283 = arith.constant 0 : i32
      %dma_start3A_284 = arith.constant 1 : i32
      %dma_start3A_285 = arith.constant 0 : i32
      %dma_start3A_286 = arith.constant 1 : i32
      %dma_start3A_287 = arith.constant 0 : i32
      %dma_start3A_288 = arith.constant 0 : i32
      %dma_start3A_289 = tpu.memref_slice %arg11[%dma_start3A_285, %dma_start3A_286, %dma_start3A_287, %dma_start3A_288] : memref<3x2x128x32xf32, #tpu.memory_space<vmem>> -> memref<1x1x128x32xf32, #tpu.memory_space<vmem>>
      %dma_start3A_290 = tpu.memref_squeeze %dma_start3A_289 : memref<1x1x128x32xf32, #tpu.memory_space<vmem>> -> memref<128x32xf32, #tpu.memory_space<vmem>>
      %dma_start3A_291 = arith.constant 0 : i32
      %dma_start3A_292 = tpu.memref_slice %arg9[%dma_start3A_283, %dma_start3A_284, %dma_start3A_291] : memref<4x2x128xi32, #tpu.memory_space<vmem>> -> memref<1x1x128xi32, #tpu.memory_space<vmem>>
      %dma_start3A_293 = tpu.memref_squeeze %dma_start3A_292 : memref<1x1x128xi32, #tpu.memory_space<vmem>> -> memref<128xi32, #tpu.memory_space<vmem>>
      %dma_start3A_294 = arith.constant 0 : i32
      %dma_start3A_295 = arith.constant 0 : i32
      %dma_start3A_296 = tpu.memref_slice %arg4[%dma_start3A_294, %dma_start3A_295] : memref<50000x32xf32, #tpu.memory_space<hbm>> -> memref<50000x32xf32, #tpu.memory_space<hbm>>
      tpu.enqueue_indirect_dma source(%dma_start3A_296 : memref<50000x32xf32, #tpu.memory_space<hbm>>) target(%dma_start3A_290 : memref<128x32xf32, #tpu.memory_space<vmem>>) offsets(%dma_start3A_293 : memref<128xi32, #tpu.memory_space<vmem>>) semaphore(%arg13 : memref<!tpu.dma_semaphore, #tpu.memory_space<semaphore_mem>>)
    } else {
    }
    %eq3A_50 = arith.constant 1 : i32
    %eq3A_51 = arith.cmpi eq, %arg0, %eq3A_50 : i32
    %convert_element_type3A_52 = arith.extui %eq3A_51 : i1 to i32
    %cond3A_53 = arith.constant 0 : i32
    %cond3A_54 = arith.cmpi ne, %convert_element_type3A_52, %cond3A_53 : i32
    scf.if %cond3A_54 {
      %dma_start3A_283 = arith.constant 0 : i32
      %dma_start3A_284 = arith.constant 1 : i32
      %dma_start3A_285 = arith.constant 0 : i32
      %dma_start3A_286 = arith.constant 1 : i32
      %dma_start3A_287 = arith.constant 0 : i32
      %dma_start3A_288 = arith.constant 0 : i32
      %dma_start3A_289 = tpu.memref_slice %arg11[%dma_start3A_285, %dma_start3A_286, %dma_start3A_287, %dma_start3A_288] : memref<3x2x128x32xf32, #tpu.memory_space<vmem>> -> memref<1x1x128x32xf32, #tpu.memory_space<vmem>>
      %dma_start3A_290 = tpu.memref_squeeze %dma_start3A_289 : memref<1x1x128x32xf32, #tpu.memory_space<vmem>> -> memref<128x32xf32, #tpu.memory_space<vmem>>
      %dma_start3A_291 = arith.constant 0 : i32
      %dma_start3A_292 = tpu.memref_slice %arg9[%dma_start3A_283, %dma_start3A_284, %dma_start3A_291] : memref<4x2x128xi32, #tpu.memory_space<vmem>> -> memref<1x1x128xi32, #tpu.memory_space<vmem>>
      %dma_start3A_293 = tpu.memref_squeeze %dma_start3A_292 : memref<1x1x128xi32, #tpu.memory_space<vmem>> -> memref<128xi32, #tpu.memory_space<vmem>>
      %dma_start3A_294 = arith.constant 0 : i32
      %dma_start3A_295 = arith.constant 0 : i32
      %dma_start3A_296 = tpu.memref_slice %arg5[%dma_start3A_294, %dma_start3A_295] : memref<50000x32xf32, #tpu.memory_space<hbm>> -> memref<50000x32xf32, #tpu.memory_space<hbm>>
      tpu.enqueue_indirect_dma source(%dma_start3A_296 : memref<50000x32xf32, #tpu.memory_space<hbm>>) target(%dma_start3A_290 : memref<128x32xf32, #tpu.memory_space<vmem>>) offsets(%dma_start3A_293 : memref<128xi32, #tpu.memory_space<vmem>>) semaphore(%arg13 : memref<!tpu.dma_semaphore, #tpu.memory_space<semaphore_mem>>)
    } else {
    }
    %add3A_55 = arith.constant 1 : i32
    %add3A_56 = arith.addi %mul3A_2, %add3A_55 : i32
    %dma_wait3A = arith.constant 1 : i32
    %dma_wait3A_57 = arith.constant 0 : i32
    %dma_wait3A_58 = arith.constant 0 : i32
    %dma_wait3A_59 = tpu.memref_slice %arg9[%dma_wait3A, %dma_wait3A_57, %dma_wait3A_58] : memref<4x2x128xi32, #tpu.memory_space<vmem>> -> memref<1x2x128xi32, #tpu.memory_space<vmem>>
    %dma_wait3A_60 = tpu.memref_squeeze %dma_wait3A_59 : memref<1x2x128xi32, #tpu.memory_space<vmem>> -> memref<2x128xi32, #tpu.memory_space<vmem>>
    %dma_wait3A_61 = arith.constant 0 : i32
    %dma_wait3A_62 = arith.constant 0 : i32
    %dma_wait3A_63 = tpu.memref_slice %arg2[%add3A_56, %dma_wait3A_61, %dma_wait3A_62] : memref<3136x2x128xi32, #tpu.memory_space<hbm>> -> memref<1x2x128xi32, #tpu.memory_space<hbm>>
    %dma_wait3A_64 = tpu.memref_squeeze %dma_wait3A_63 : memref<1x2x128xi32, #tpu.memory_space<hbm>> -> memref<2x128xi32, #tpu.memory_space<hbm>>
    %dma_wait3A_65 = arith.constant 0 : i32
    %dma_wait3A_66 = arith.constant 0 : i32
    %dma_wait3A_67 = tpu.memref_slice %arg9[%dma_wait3A, %dma_wait3A_65, %dma_wait3A_66] : memref<4x2x128xi32, #tpu.memory_space<vmem>> -> memref<1x2x128xi32, #tpu.memory_space<vmem>>
    %dma_wait3A_68 = tpu.memref_squeeze %dma_wait3A_67 : memref<1x2x128xi32, #tpu.memory_space<vmem>> -> memref<2x128xi32, #tpu.memory_space<vmem>>
    %dma_wait3A_69 = arith.constant 0 : i32
    %dma_wait3A_70 = arith.constant 0 : i32
    %dma_wait3A_71 = tpu.memref_slice %arg2[%add3A_56, %dma_wait3A_69, %dma_wait3A_70] : memref<3136x2x128xi32, #tpu.memory_space<hbm>> -> memref<1x2x128xi32, #tpu.memory_space<hbm>>
    %dma_wait3A_72 = tpu.memref_squeeze %dma_wait3A_71 : memref<1x2x128xi32, #tpu.memory_space<hbm>> -> memref<2x128xi32, #tpu.memory_space<hbm>>
    tpu.wait_dma2 semaphore(%arg15 : memref<!tpu.dma_semaphore, #tpu.memory_space<semaphore_mem>>) src(%dma_wait3A_72 : memref<2x128xi32, #tpu.memory_space<hbm>>) dst(%dma_wait3A_68 : memref<2x128xi32, #tpu.memory_space<vmem>>)
    %dma_wait3A_73 = arith.constant 1 : i32
    %dma_wait3A_74 = arith.constant 0 : i32
    %dma_wait3A_75 = arith.constant 0 : i32
    %dma_wait3A_76 = tpu.memref_slice %arg10[%dma_wait3A_73, %dma_wait3A_74, %dma_wait3A_75] : memref<4x2x128xi32, #tpu.memory_space<vmem>> -> memref<1x2x128xi32, #tpu.memory_space<vmem>>
    %dma_wait3A_77 = tpu.memref_squeeze %dma_wait3A_76 : memref<1x2x128xi32, #tpu.memory_space<vmem>> -> memref<2x128xi32, #tpu.memory_space<vmem>>
    %dma_wait3A_78 = arith.constant 0 : i32
    %dma_wait3A_79 = arith.constant 0 : i32
    %dma_wait3A_80 = tpu.memref_slice %arg3[%add3A_56, %dma_wait3A_78, %dma_wait3A_79] : memref<3136x2x128xi32, #tpu.memory_space<hbm>> -> memref<1x2x128xi32, #tpu.memory_space<hbm>>
    %dma_wait3A_81 = tpu.memref_squeeze %dma_wait3A_80 : memref<1x2x128xi32, #tpu.memory_space<hbm>> -> memref<2x128xi32, #tpu.memory_space<hbm>>
    %dma_wait3A_82 = arith.constant 0 : i32
    %dma_wait3A_83 = arith.constant 0 : i32
    %dma_wait3A_84 = tpu.memref_slice %arg10[%dma_wait3A_73, %dma_wait3A_82, %dma_wait3A_83] : memref<4x2x128xi32, #tpu.memory_space<vmem>> -> memref<1x2x128xi32, #tpu.memory_space<vmem>>
    %dma_wait3A_85 = tpu.memref_squeeze %dma_wait3A_84 : memref<1x2x128xi32, #tpu.memory_space<vmem>> -> memref<2x128xi32, #tpu.memory_space<vmem>>
    %dma_wait3A_86 = arith.constant 0 : i32
    %dma_wait3A_87 = arith.constant 0 : i32
    %dma_wait3A_88 = tpu.memref_slice %arg3[%add3A_56, %dma_wait3A_86, %dma_wait3A_87] : memref<3136x2x128xi32, #tpu.memory_space<hbm>> -> memref<1x2x128xi32, #tpu.memory_space<hbm>>
    %dma_wait3A_89 = tpu.memref_squeeze %dma_wait3A_88 : memref<1x2x128xi32, #tpu.memory_space<hbm>> -> memref<2x128xi32, #tpu.memory_space<hbm>>
    tpu.wait_dma2 semaphore(%arg15 : memref<!tpu.dma_semaphore, #tpu.memory_space<semaphore_mem>>) src(%dma_wait3A_89 : memref<2x128xi32, #tpu.memory_space<hbm>>) dst(%dma_wait3A_85 : memref<2x128xi32, #tpu.memory_space<vmem>>)
    %add3A_90 = arith.constant 2 : i32
    %add3A_91 = arith.addi %mul3A_2, %add3A_90 : i32
    %dma_start3A_92 = arith.constant 2 : i32
    %dma_start3A_93 = arith.constant 0 : i32
    %dma_start3A_94 = arith.constant 0 : i32
    %dma_start3A_95 = tpu.memref_slice %arg9[%dma_start3A_92, %dma_start3A_93, %dma_start3A_94] : memref<4x2x128xi32, #tpu.memory_space<vmem>> -> memref<1x2x128xi32, #tpu.memory_space<vmem>>
    %dma_start3A_96 = tpu.memref_squeeze %dma_start3A_95 : memref<1x2x128xi32, #tpu.memory_space<vmem>> -> memref<2x128xi32, #tpu.memory_space<vmem>>
    %dma_start3A_97 = arith.constant 0 : i32
    %dma_start3A_98 = arith.constant 0 : i32
    %dma_start3A_99 = tpu.memref_slice %arg2[%add3A_91, %dma_start3A_97, %dma_start3A_98] : memref<3136x2x128xi32, #tpu.memory_space<hbm>> -> memref<1x2x128xi32, #tpu.memory_space<hbm>>
    %dma_start3A_100 = tpu.memref_squeeze %dma_start3A_99 : memref<1x2x128xi32, #tpu.memory_space<hbm>> -> memref<2x128xi32, #tpu.memory_space<hbm>>
    %dma_start3A_101 = arith.constant 0 : i32
    %dma_start3A_102 = arith.constant 0 : i32
    %dma_start3A_103 = tpu.memref_slice %arg9[%dma_start3A_92, %dma_start3A_101, %dma_start3A_102] : memref<4x2x128xi32, #tpu.memory_space<vmem>> -> memref<1x2x128xi32, #tpu.memory_space<vmem>>
    %dma_start3A_104 = tpu.memref_squeeze %dma_start3A_103 : memref<1x2x128xi32, #tpu.memory_space<vmem>> -> memref<2x128xi32, #tpu.memory_space<vmem>>
    %dma_start3A_105 = arith.constant 0 : i32
    %dma_start3A_106 = arith.constant 0 : i32
    %dma_start3A_107 = tpu.memref_slice %arg2[%add3A_91, %dma_start3A_105, %dma_start3A_106] : memref<3136x2x128xi32, #tpu.memory_space<hbm>> -> memref<1x2x128xi32, #tpu.memory_space<hbm>>
    %dma_start3A_108 = tpu.memref_squeeze %dma_start3A_107 : memref<1x2x128xi32, #tpu.memory_space<hbm>> -> memref<2x128xi32, #tpu.memory_space<hbm>>
    tpu.enqueue_dma source(%dma_start3A_108 : memref<2x128xi32, #tpu.memory_space<hbm>>) target(%dma_start3A_104 : memref<2x128xi32, #tpu.memory_space<vmem>>) target_semaphore(%arg15 : memref<!tpu.dma_semaphore, #tpu.memory_space<semaphore_mem>>)
    %dma_start3A_109 = arith.constant 2 : i32
    %dma_start3A_110 = arith.constant 0 : i32
    %dma_start3A_111 = arith.constant 0 : i32
    %dma_start3A_112 = tpu.memref_slice %arg10[%dma_start3A_109, %dma_start3A_110, %dma_start3A_111] : memref<4x2x128xi32, #tpu.memory_space<vmem>> -> memref<1x2x128xi32, #tpu.memory_space<vmem>>
    %dma_start3A_113 = tpu.memref_squeeze %dma_start3A_112 : memref<1x2x128xi32, #tpu.memory_space<vmem>> -> memref<2x128xi32, #tpu.memory_space<vmem>>
    %dma_start3A_114 = arith.constant 0 : i32
    %dma_start3A_115 = arith.constant 0 : i32
    %dma_start3A_116 = tpu.memref_slice %arg3[%add3A_91, %dma_start3A_114, %dma_start3A_115] : memref<3136x2x128xi32, #tpu.memory_space<hbm>> -> memref<1x2x128xi32, #tpu.memory_space<hbm>>
    %dma_start3A_117 = tpu.memref_squeeze %dma_start3A_116 : memref<1x2x128xi32, #tpu.memory_space<hbm>> -> memref<2x128xi32, #tpu.memory_space<hbm>>
    %dma_start3A_118 = arith.constant 0 : i32
    %dma_start3A_119 = arith.constant 0 : i32
    %dma_start3A_120 = tpu.memref_slice %arg10[%dma_start3A_109, %dma_start3A_118, %dma_start3A_119] : memref<4x2x128xi32, #tpu.memory_space<vmem>> -> memref<1x2x128xi32, #tpu.memory_space<vmem>>
    %dma_start3A_121 = tpu.memref_squeeze %dma_start3A_120 : memref<1x2x128xi32, #tpu.memory_space<vmem>> -> memref<2x128xi32, #tpu.memory_space<vmem>>
    %dma_start3A_122 = arith.constant 0 : i32
    %dma_start3A_123 = arith.constant 0 : i32
    %dma_start3A_124 = tpu.memref_slice %arg3[%add3A_91, %dma_start3A_122, %dma_start3A_123] : memref<3136x2x128xi32, #tpu.memory_space<hbm>> -> memref<1x2x128xi32, #tpu.memory_space<hbm>>
    %dma_start3A_125 = tpu.memref_squeeze %dma_start3A_124 : memref<1x2x128xi32, #tpu.memory_space<hbm>> -> memref<2x128xi32, #tpu.memory_space<hbm>>
    tpu.enqueue_dma source(%dma_start3A_125 : memref<2x128xi32, #tpu.memory_space<hbm>>) target(%dma_start3A_121 : memref<2x128xi32, #tpu.memory_space<vmem>>) target_semaphore(%arg15 : memref<!tpu.dma_semaphore, #tpu.memory_space<semaphore_mem>>)
    %eq3A_126 = arith.constant 0 : i32
    %eq3A_127 = arith.cmpi eq, %arg0, %eq3A_126 : i32
    %convert_element_type3A_128 = arith.extui %eq3A_127 : i1 to i32
    %cond3A_129 = arith.constant 0 : i32
    %cond3A_130 = arith.cmpi ne, %convert_element_type3A_128, %cond3A_129 : i32
    scf.if %cond3A_130 {
      %dma_start3A_283 = arith.constant 1 : i32
      %dma_start3A_284 = arith.constant 0 : i32
      %dma_start3A_285 = arith.constant 1 : i32
      %dma_start3A_286 = arith.constant 0 : i32
      %dma_start3A_287 = arith.constant 0 : i32
      %dma_start3A_288 = arith.constant 0 : i32
      %dma_start3A_289 = tpu.memref_slice %arg11[%dma_start3A_285, %dma_start3A_286, %dma_start3A_287, %dma_start3A_288] : memref<3x2x128x32xf32, #tpu.memory_space<vmem>> -> memref<1x1x128x32xf32, #tpu.memory_space<vmem>>
      %dma_start3A_290 = tpu.memref_squeeze %dma_start3A_289 : memref<1x1x128x32xf32, #tpu.memory_space<vmem>> -> memref<128x32xf32, #tpu.memory_space<vmem>>
      %dma_start3A_291 = arith.constant 0 : i32
      %dma_start3A_292 = tpu.memref_slice %arg9[%dma_start3A_283, %dma_start3A_284, %dma_start3A_291] : memref<4x2x128xi32, #tpu.memory_space<vmem>> -> memref<1x1x128xi32, #tpu.memory_space<vmem>>
      %dma_start3A_293 = tpu.memref_squeeze %dma_start3A_292 : memref<1x1x128xi32, #tpu.memory_space<vmem>> -> memref<128xi32, #tpu.memory_space<vmem>>
      %dma_start3A_294 = arith.constant 0 : i32
      %dma_start3A_295 = arith.constant 0 : i32
      %dma_start3A_296 = tpu.memref_slice %arg4[%dma_start3A_294, %dma_start3A_295] : memref<50000x32xf32, #tpu.memory_space<hbm>> -> memref<50000x32xf32, #tpu.memory_space<hbm>>
      tpu.enqueue_indirect_dma source(%dma_start3A_296 : memref<50000x32xf32, #tpu.memory_space<hbm>>) target(%dma_start3A_290 : memref<128x32xf32, #tpu.memory_space<vmem>>) offsets(%dma_start3A_293 : memref<128xi32, #tpu.memory_space<vmem>>) semaphore(%arg13 : memref<!tpu.dma_semaphore, #tpu.memory_space<semaphore_mem>>)
    } else {
    }
    %eq3A_131 = arith.constant 1 : i32
    %eq3A_132 = arith.cmpi eq, %arg0, %eq3A_131 : i32
    %convert_element_type3A_133 = arith.extui %eq3A_132 : i1 to i32
    %cond3A_134 = arith.constant 0 : i32
    %cond3A_135 = arith.cmpi ne, %convert_element_type3A_133, %cond3A_134 : i32
    scf.if %cond3A_135 {
      %dma_start3A_283 = arith.constant 1 : i32
      %dma_start3A_284 = arith.constant 0 : i32
      %dma_start3A_285 = arith.constant 1 : i32
      %dma_start3A_286 = arith.constant 0 : i32
      %dma_start3A_287 = arith.constant 0 : i32
      %dma_start3A_288 = arith.constant 0 : i32
      %dma_start3A_289 = tpu.memref_slice %arg11[%dma_start3A_285, %dma_start3A_286, %dma_start3A_287, %dma_start3A_288] : memref<3x2x128x32xf32, #tpu.memory_space<vmem>> -> memref<1x1x128x32xf32, #tpu.memory_space<vmem>>
      %dma_start3A_290 = tpu.memref_squeeze %dma_start3A_289 : memref<1x1x128x32xf32, #tpu.memory_space<vmem>> -> memref<128x32xf32, #tpu.memory_space<vmem>>
      %dma_start3A_291 = arith.constant 0 : i32
      %dma_start3A_292 = tpu.memref_slice %arg9[%dma_start3A_283, %dma_start3A_284, %dma_start3A_291] : memref<4x2x128xi32, #tpu.memory_space<vmem>> -> memref<1x1x128xi32, #tpu.memory_space<vmem>>
      %dma_start3A_293 = tpu.memref_squeeze %dma_start3A_292 : memref<1x1x128xi32, #tpu.memory_space<vmem>> -> memref<128xi32, #tpu.memory_space<vmem>>
      %dma_start3A_294 = arith.constant 0 : i32
      %dma_start3A_295 = arith.constant 0 : i32
      %dma_start3A_296 = tpu.memref_slice %arg5[%dma_start3A_294, %dma_start3A_295] : memref<50000x32xf32, #tpu.memory_space<hbm>> -> memref<50000x32xf32, #tpu.memory_space<hbm>>
      tpu.enqueue_indirect_dma source(%dma_start3A_296 : memref<50000x32xf32, #tpu.memory_space<hbm>>) target(%dma_start3A_290 : memref<128x32xf32, #tpu.memory_space<vmem>>) offsets(%dma_start3A_293 : memref<128xi32, #tpu.memory_space<vmem>>) semaphore(%arg13 : memref<!tpu.dma_semaphore, #tpu.memory_space<semaphore_mem>>)
    } else {
    }
    %eq3A_136 = arith.constant 0 : i32
    %eq3A_137 = arith.cmpi eq, %arg0, %eq3A_136 : i32
    %convert_element_type3A_138 = arith.extui %eq3A_137 : i1 to i32
    %cond3A_139 = arith.constant 0 : i32
    %cond3A_140 = arith.cmpi ne, %convert_element_type3A_138, %cond3A_139 : i32
    scf.if %cond3A_140 {
      %dma_start3A_283 = arith.constant 1 : i32
      %dma_start3A_284 = arith.constant 1 : i32
      %dma_start3A_285 = arith.constant 1 : i32
      %dma_start3A_286 = arith.constant 1 : i32
      %dma_start3A_287 = arith.constant 0 : i32
      %dma_start3A_288 = arith.constant 0 : i32
      %dma_start3A_289 = tpu.memref_slice %arg11[%dma_start3A_285, %dma_start3A_286, %dma_start3A_287, %dma_start3A_288] : memref<3x2x128x32xf32, #tpu.memory_space<vmem>> -> memref<1x1x128x32xf32, #tpu.memory_space<vmem>>
      %dma_start3A_290 = tpu.memref_squeeze %dma_start3A_289 : memref<1x1x128x32xf32, #tpu.memory_space<vmem>> -> memref<128x32xf32, #tpu.memory_space<vmem>>
      %dma_start3A_291 = arith.constant 0 : i32
      %dma_start3A_292 = tpu.memref_slice %arg9[%dma_start3A_283, %dma_start3A_284, %dma_start3A_291] : memref<4x2x128xi32, #tpu.memory_space<vmem>> -> memref<1x1x128xi32, #tpu.memory_space<vmem>>
      %dma_start3A_293 = tpu.memref_squeeze %dma_start3A_292 : memref<1x1x128xi32, #tpu.memory_space<vmem>> -> memref<128xi32, #tpu.memory_space<vmem>>
      %dma_start3A_294 = arith.constant 0 : i32
      %dma_start3A_295 = arith.constant 0 : i32
      %dma_start3A_296 = tpu.memref_slice %arg4[%dma_start3A_294, %dma_start3A_295] : memref<50000x32xf32, #tpu.memory_space<hbm>> -> memref<50000x32xf32, #tpu.memory_space<hbm>>
      tpu.enqueue_indirect_dma source(%dma_start3A_296 : memref<50000x32xf32, #tpu.memory_space<hbm>>) target(%dma_start3A_290 : memref<128x32xf32, #tpu.memory_space<vmem>>) offsets(%dma_start3A_293 : memref<128xi32, #tpu.memory_space<vmem>>) semaphore(%arg13 : memref<!tpu.dma_semaphore, #tpu.memory_space<semaphore_mem>>)
    } else {
    }
    %eq3A_141 = arith.constant 1 : i32
    %eq3A_142 = arith.cmpi eq, %arg0, %eq3A_141 : i32
    %convert_element_type3A_143 = arith.extui %eq3A_142 : i1 to i32
    %cond3A_144 = arith.constant 0 : i32
    %cond3A_145 = arith.cmpi ne, %convert_element_type3A_143, %cond3A_144 : i32
    scf.if %cond3A_145 {
      %dma_start3A_283 = arith.constant 1 : i32
      %dma_start3A_284 = arith.constant 1 : i32
      %dma_start3A_285 = arith.constant 1 : i32
      %dma_start3A_286 = arith.constant 1 : i32
      %dma_start3A_287 = arith.constant 0 : i32
      %dma_start3A_288 = arith.constant 0 : i32
      %dma_start3A_289 = tpu.memref_slice %arg11[%dma_start3A_285, %dma_start3A_286, %dma_start3A_287, %dma_start3A_288] : memref<3x2x128x32xf32, #tpu.memory_space<vmem>> -> memref<1x1x128x32xf32, #tpu.memory_space<vmem>>
      %dma_start3A_290 = tpu.memref_squeeze %dma_start3A_289 : memref<1x1x128x32xf32, #tpu.memory_space<vmem>> -> memref<128x32xf32, #tpu.memory_space<vmem>>
      %dma_start3A_291 = arith.constant 0 : i32
      %dma_start3A_292 = tpu.memref_slice %arg9[%dma_start3A_283, %dma_start3A_284, %dma_start3A_291] : memref<4x2x128xi32, #tpu.memory_space<vmem>> -> memref<1x1x128xi32, #tpu.memory_space<vmem>>
      %dma_start3A_293 = tpu.memref_squeeze %dma_start3A_292 : memref<1x1x128xi32, #tpu.memory_space<vmem>> -> memref<128xi32, #tpu.memory_space<vmem>>
      %dma_start3A_294 = arith.constant 0 : i32
      %dma_start3A_295 = arith.constant 0 : i32
      %dma_start3A_296 = tpu.memref_slice %arg5[%dma_start3A_294, %dma_start3A_295] : memref<50000x32xf32, #tpu.memory_space<hbm>> -> memref<50000x32xf32, #tpu.memory_space<hbm>>
      tpu.enqueue_indirect_dma source(%dma_start3A_296 : memref<50000x32xf32, #tpu.memory_space<hbm>>) target(%dma_start3A_290 : memref<128x32xf32, #tpu.memory_space<vmem>>) offsets(%dma_start3A_293 : memref<128xi32, #tpu.memory_space<vmem>>) semaphore(%arg13 : memref<!tpu.dma_semaphore, #tpu.memory_space<semaphore_mem>>)
    } else {
    }
    %scan3A = arith.constant 0 : i32
    %scan3A_146 = arith.constant 0 : i32
    %scan3A_147 = arith.constant 196 : i32
    %scan3A_148 = arith.addi %scan3A_146, %scan3A_147 : i32
    %scan3A_149 = arith.constant 1 : i32
    scf.for %scan3A_283 = %scan3A_146 to %scan3A_148 step %scan3A_149  : i32 {
      %jit3A = arith.constant 3 : i32
      %eq3A_284 = arith.constant 0 : i32
      %eq3A_285 = arith.cmpi eq, %jit3A, %eq3A_284 : i32
      %jit3A_286 = arith.constant 1 : i32
      %select_n3A = arith.select %eq3A_285, %jit3A_286, %jit3A : i32
      %rem3A = arith.remsi %scan3A_283, %select_n3A : i32
      %ne3A = arith.constant 0 : i32
      %ne3A_287 = arith.cmpi ne, %rem3A, %ne3A : i32
      %lt3A = arith.constant 0 : i32
      %lt3A_288 = arith.cmpi slt, %rem3A, %lt3A : i32
      %lt3A_289 = arith.constant 0 : i32
      %lt3A_290 = arith.cmpi slt, %select_n3A, %lt3A_289 : i32
      %ne3A_291 = arith.xori %lt3A_288, %lt3A_290 : i1
      %and3A = arith.andi %ne3A_291, %ne3A_287 : i1
      %add3A_292 = arith.addi %rem3A, %select_n3A : i32
      %select_n3A_293 = arith.select %and3A, %add3A_292, %rem3A : i32
      %add3A_294 = arith.constant 2 : i32
      %add3A_295 = arith.addi %scan3A_283, %add3A_294 : i32
      %jit3A_296 = arith.constant 3 : i32
      %eq3A_297 = arith.constant 0 : i32
      %eq3A_298 = arith.cmpi eq, %jit3A_296, %eq3A_297 : i32
      %jit3A_299 = arith.constant 1 : i32
      %select_n3A_300 = arith.select %eq3A_298, %jit3A_299, %jit3A_296 : i32
      %rem3A_301 = arith.remsi %add3A_295, %select_n3A_300 : i32
      %ne3A_302 = arith.constant 0 : i32
      %ne3A_303 = arith.cmpi ne, %rem3A_301, %ne3A_302 : i32
      %lt3A_304 = arith.constant 0 : i32
      %lt3A_305 = arith.cmpi slt, %rem3A_301, %lt3A_304 : i32
      %lt3A_306 = arith.constant 0 : i32
      %lt3A_307 = arith.cmpi slt, %select_n3A_300, %lt3A_306 : i32
      %ne3A_308 = arith.xori %lt3A_305, %lt3A_307 : i1
      %and3A_309 = arith.andi %ne3A_308, %ne3A_303 : i1
      %add3A_310 = arith.addi %rem3A_301, %select_n3A_300 : i32
      %select_n3A_311 = arith.select %and3A_309, %add3A_310, %rem3A_301 : i32
      %jit3A_312 = arith.constant 4 : i32
      %eq3A_313 = arith.constant 0 : i32
      %eq3A_314 = arith.cmpi eq, %jit3A_312, %eq3A_313 : i32
      %jit3A_315 = arith.constant 1 : i32
      %select_n3A_316 = arith.select %eq3A_314, %jit3A_315, %jit3A_312 : i32
      %rem3A_317 = arith.remsi %scan3A_283, %select_n3A_316 : i32
      %ne3A_318 = arith.constant 0 : i32
      %ne3A_319 = arith.cmpi ne, %rem3A_317, %ne3A_318 : i32
      %lt3A_320 = arith.constant 0 : i32
      %lt3A_321 = arith.cmpi slt, %rem3A_317, %lt3A_320 : i32
      %lt3A_322 = arith.constant 0 : i32
      %lt3A_323 = arith.cmpi slt, %select_n3A_316, %lt3A_322 : i32
      %ne3A_324 = arith.xori %lt3A_321, %lt3A_323 : i1
      %and3A_325 = arith.andi %ne3A_324, %ne3A_319 : i1
      %add3A_326 = arith.addi %rem3A_317, %select_n3A_316 : i32
      %select_n3A_327 = arith.select %and3A_325, %add3A_326, %rem3A_317 : i32
      %add3A_328 = arith.constant 3 : i32
      %add3A_329 = arith.addi %scan3A_283, %add3A_328 : i32
      %jit3A_330 = arith.constant 4 : i32
      %eq3A_331 = arith.constant 0 : i32
      %eq3A_332 = arith.cmpi eq, %jit3A_330, %eq3A_331 : i32
      %jit3A_333 = arith.constant 1 : i32
      %select_n3A_334 = arith.select %eq3A_332, %jit3A_333, %jit3A_330 : i32
      %rem3A_335 = arith.remsi %add3A_329, %select_n3A_334 : i32
      %ne3A_336 = arith.constant 0 : i32
      %ne3A_337 = arith.cmpi ne, %rem3A_335, %ne3A_336 : i32
      %lt3A_338 = arith.constant 0 : i32
      %lt3A_339 = arith.cmpi slt, %rem3A_335, %lt3A_338 : i32
      %lt3A_340 = arith.constant 0 : i32
      %lt3A_341 = arith.cmpi slt, %select_n3A_334, %lt3A_340 : i32
      %ne3A_342 = arith.xori %lt3A_339, %lt3A_341 : i1
      %and3A_343 = arith.andi %ne3A_342, %ne3A_337 : i1
      %add3A_344 = arith.addi %rem3A_335, %select_n3A_334 : i32
      %select_n3A_345 = arith.select %and3A_343, %add3A_344, %rem3A_335 : i32
      %add3A_346 = arith.constant 2 : i32
      %add3A_347 = arith.addi %scan3A_283, %add3A_346 : i32
      %jit3A_348 = arith.constant 4 : i32
      %eq3A_349 = arith.constant 0 : i32
      %eq3A_350 = arith.cmpi eq, %jit3A_348, %eq3A_349 : i32
      %jit3A_351 = arith.constant 1 : i32
      %select_n3A_352 = arith.select %eq3A_350, %jit3A_351, %jit3A_348 : i32
      %rem3A_353 = arith.remsi %add3A_347, %select_n3A_352 : i32
      %ne3A_354 = arith.constant 0 : i32
      %ne3A_355 = arith.cmpi ne, %rem3A_353, %ne3A_354 : i32
      %lt3A_356 = arith.constant 0 : i32
      %lt3A_357 = arith.cmpi slt, %rem3A_353, %lt3A_356 : i32
      %lt3A_358 = arith.constant 0 : i32
      %lt3A_359 = arith.cmpi slt, %select_n3A_352, %lt3A_358 : i32
      %ne3A_360 = arith.xori %lt3A_357, %lt3A_359 : i1
      %and3A_361 = arith.andi %ne3A_360, %ne3A_355 : i1
      %add3A_362 = arith.addi %rem3A_353, %select_n3A_352 : i32
      %select_n3A_363 = arith.select %and3A_361, %add3A_362, %rem3A_353 : i32
      %add3A_364 = arith.constant 3 : i32
      %add3A_365 = arith.addi %scan3A_283, %add3A_364 : i32
      %jit3A_366 = arith.constant 4 : i32
      %eq3A_367 = arith.constant 0 : i32
      %eq3A_368 = arith.cmpi eq, %jit3A_366, %eq3A_367 : i32
      %jit3A_369 = arith.constant 1 : i32
      %select_n3A_370 = arith.select %eq3A_368, %jit3A_369, %jit3A_366 : i32
      %rem3A_371 = arith.remsi %add3A_365, %select_n3A_370 : i32
      %ne3A_372 = arith.constant 0 : i32
      %ne3A_373 = arith.cmpi ne, %rem3A_371, %ne3A_372 : i32
      %lt3A_374 = arith.constant 0 : i32
      %lt3A_375 = arith.cmpi slt, %rem3A_371, %lt3A_374 : i32
      %lt3A_376 = arith.constant 0 : i32
      %lt3A_377 = arith.cmpi slt, %select_n3A_370, %lt3A_376 : i32
      %ne3A_378 = arith.xori %lt3A_375, %lt3A_377 : i1
      %and3A_379 = arith.andi %ne3A_378, %ne3A_373 : i1
      %add3A_380 = arith.addi %rem3A_371, %select_n3A_370 : i32
      %select_n3A_381 = arith.select %and3A_379, %add3A_380, %rem3A_371 : i32
      %add3A_382 = arith.constant 2 : i32
      %add3A_383 = arith.addi %scan3A_283, %add3A_382 : i32
      %min3A = arith.constant 195 : i32
      %min3A_384 = arith.minsi %add3A_383, %min3A : i32
      %add3A_385 = arith.addi %mul3A_2, %min3A_384 : i32
      %add3A_386 = arith.constant 3 : i32
      %add3A_387 = arith.addi %scan3A_283, %add3A_386 : i32
      %min3A_388 = arith.constant 195 : i32
      %min3A_389 = arith.minsi %add3A_387, %min3A_388 : i32
      %add3A_390 = arith.addi %mul3A_2, %min3A_389 : i32
      %gt3A = arith.constant 0 : i32
      %gt3A_391 = arith.cmpi sgt, %scan3A_283, %gt3A : i32
      %convert_element_type3A_392 = arith.extui %gt3A_391 : i1 to i32
      %cond3A_393 = arith.constant 0 : i32
      %cond3A_394 = arith.cmpi ne, %convert_element_type3A_392, %cond3A_393 : i32
      scf.if %cond3A_394 {
        %dma_wait3A_527 = arith.constant 0 : i32
        %dma_wait3A_528 = arith.constant 0 : i32
        %dma_wait3A_529 = arith.constant 0 : i32
        %dma_wait3A_530 = arith.constant 0 : i32
        %dma_wait3A_531 = tpu.memref_slice %arg11[%select_n3A_311, %dma_wait3A_527, %dma_wait3A_529, %dma_wait3A_530] : memref<3x2x128x32xf32, #tpu.memory_space<vmem>> -> memref<1x1x128x32xf32, #tpu.memory_space<vmem>>
        %dma_wait3A_532 = tpu.memref_squeeze %dma_wait3A_531 : memref<1x1x128x32xf32, #tpu.memory_space<vmem>> -> memref<128x32xf32, #tpu.memory_space<vmem>>
        %dma_wait3A_533 = arith.constant 0 : i32
        %dma_wait3A_534 = tpu.memref_slice %arg10[%select_n3A_345, %dma_wait3A_528, %dma_wait3A_533] : memref<4x2x128xi32, #tpu.memory_space<vmem>> -> memref<1x1x128xi32, #tpu.memory_space<vmem>>
        %dma_wait3A_535 = tpu.memref_squeeze %dma_wait3A_534 : memref<1x1x128xi32, #tpu.memory_space<vmem>> -> memref<128xi32, #tpu.memory_space<vmem>>
        %dma_wait3A_536 = arith.constant 0 : i32
        %dma_wait3A_537 = arith.constant 0 : i32
        %dma_wait3A_538 = tpu.memref_slice %arg12[%dma_wait3A_536, %dma_wait3A_537] : memref<50048x32xf32, #tpu.memory_space<vmem_shared>> -> memref<50048x32xf32, #tpu.memory_space<vmem_shared>>
        tpu.wait_indirect_dma semaphore(%arg14 : memref<!tpu.dma_semaphore, #tpu.memory_space<semaphore_mem>>) src(%dma_wait3A_532 : memref<128x32xf32, #tpu.memory_space<vmem>>) dst(%dma_wait3A_538 : memref<50048x32xf32, #tpu.memory_space<vmem_shared>>)
        %dma_wait3A_539 = arith.constant 1 : i32
        %dma_wait3A_540 = arith.constant 1 : i32
        %dma_wait3A_541 = arith.constant 0 : i32
        %dma_wait3A_542 = arith.constant 0 : i32
        %dma_wait3A_543 = tpu.memref_slice %arg11[%select_n3A_311, %dma_wait3A_539, %dma_wait3A_541, %dma_wait3A_542] : memref<3x2x128x32xf32, #tpu.memory_space<vmem>> -> memref<1x1x128x32xf32, #tpu.memory_space<vmem>>
        %dma_wait3A_544 = tpu.memref_squeeze %dma_wait3A_543 : memref<1x1x128x32xf32, #tpu.memory_space<vmem>> -> memref<128x32xf32, #tpu.memory_space<vmem>>
        %dma_wait3A_545 = arith.constant 0 : i32
        %dma_wait3A_546 = tpu.memref_slice %arg10[%select_n3A_345, %dma_wait3A_540, %dma_wait3A_545] : memref<4x2x128xi32, #tpu.memory_space<vmem>> -> memref<1x1x128xi32, #tpu.memory_space<vmem>>
        %dma_wait3A_547 = tpu.memref_squeeze %dma_wait3A_546 : memref<1x1x128xi32, #tpu.memory_space<vmem>> -> memref<128xi32, #tpu.memory_space<vmem>>
        %dma_wait3A_548 = arith.constant 0 : i32
        %dma_wait3A_549 = arith.constant 0 : i32
        %dma_wait3A_550 = tpu.memref_slice %arg12[%dma_wait3A_548, %dma_wait3A_549] : memref<50048x32xf32, #tpu.memory_space<vmem_shared>> -> memref<50048x32xf32, #tpu.memory_space<vmem_shared>>
        tpu.wait_indirect_dma semaphore(%arg14 : memref<!tpu.dma_semaphore, #tpu.memory_space<semaphore_mem>>) src(%dma_wait3A_544 : memref<128x32xf32, #tpu.memory_space<vmem>>) dst(%dma_wait3A_550 : memref<50048x32xf32, #tpu.memory_space<vmem_shared>>)
      } else {
      }
      %dma_wait3A_395 = arith.constant 0 : i32
      %dma_wait3A_396 = arith.constant 0 : i32
      %dma_wait3A_397 = arith.constant 0 : i32
      %dma_wait3A_398 = arith.constant 0 : i32
      %dma_wait3A_399 = tpu.memref_slice %arg11[%select_n3A_293, %dma_wait3A_396, %dma_wait3A_397, %dma_wait3A_398] : memref<3x2x128x32xf32, #tpu.memory_space<vmem>> -> memref<1x1x128x32xf32, #tpu.memory_space<vmem>>
      %dma_wait3A_400 = tpu.memref_squeeze %dma_wait3A_399 : memref<1x1x128x32xf32, #tpu.memory_space<vmem>> -> memref<128x32xf32, #tpu.memory_space<vmem>>
      %dma_wait3A_401 = arith.constant 0 : i32
      %dma_wait3A_402 = tpu.memref_slice %arg9[%select_n3A_327, %dma_wait3A_395, %dma_wait3A_401] : memref<4x2x128xi32, #tpu.memory_space<vmem>> -> memref<1x1x128xi32, #tpu.memory_space<vmem>>
      %dma_wait3A_403 = tpu.memref_squeeze %dma_wait3A_402 : memref<1x1x128xi32, #tpu.memory_space<vmem>> -> memref<128xi32, #tpu.memory_space<vmem>>
      %dma_wait3A_404 = arith.constant 0 : i32
      %dma_wait3A_405 = arith.constant 0 : i32
      %dma_wait3A_406 = tpu.memref_slice %arg4[%dma_wait3A_404, %dma_wait3A_405] : memref<50000x32xf32, #tpu.memory_space<hbm>> -> memref<50000x32xf32, #tpu.memory_space<hbm>>
      tpu.wait_indirect_dma semaphore(%arg13 : memref<!tpu.dma_semaphore, #tpu.memory_space<semaphore_mem>>) src(%dma_wait3A_406 : memref<50000x32xf32, #tpu.memory_space<hbm>>) dst(%dma_wait3A_400 : memref<128x32xf32, #tpu.memory_space<vmem>>)
      %dma_wait3A_407 = arith.constant 1 : i32
      %dma_wait3A_408 = arith.constant 1 : i32
      %dma_wait3A_409 = arith.constant 0 : i32
      %dma_wait3A_410 = arith.constant 0 : i32
      %dma_wait3A_411 = tpu.memref_slice %arg11[%select_n3A_293, %dma_wait3A_408, %dma_wait3A_409, %dma_wait3A_410] : memref<3x2x128x32xf32, #tpu.memory_space<vmem>> -> memref<1x1x128x32xf32, #tpu.memory_space<vmem>>
      %dma_wait3A_412 = tpu.memref_squeeze %dma_wait3A_411 : memref<1x1x128x32xf32, #tpu.memory_space<vmem>> -> memref<128x32xf32, #tpu.memory_space<vmem>>
      %dma_wait3A_413 = arith.constant 0 : i32
      %dma_wait3A_414 = tpu.memref_slice %arg9[%select_n3A_327, %dma_wait3A_407, %dma_wait3A_413] : memref<4x2x128xi32, #tpu.memory_space<vmem>> -> memref<1x1x128xi32, #tpu.memory_space<vmem>>
      %dma_wait3A_415 = tpu.memref_squeeze %dma_wait3A_414 : memref<1x1x128xi32, #tpu.memory_space<vmem>> -> memref<128xi32, #tpu.memory_space<vmem>>
      %dma_wait3A_416 = arith.constant 0 : i32
      %dma_wait3A_417 = arith.constant 0 : i32
      %dma_wait3A_418 = tpu.memref_slice %arg4[%dma_wait3A_416, %dma_wait3A_417] : memref<50000x32xf32, #tpu.memory_space<hbm>> -> memref<50000x32xf32, #tpu.memory_space<hbm>>
      tpu.wait_indirect_dma semaphore(%arg13 : memref<!tpu.dma_semaphore, #tpu.memory_space<semaphore_mem>>) src(%dma_wait3A_418 : memref<50000x32xf32, #tpu.memory_space<hbm>>) dst(%dma_wait3A_412 : memref<128x32xf32, #tpu.memory_space<vmem>>)
      %dma_start3A_419 = arith.constant 0 : i32
      %dma_start3A_420 = arith.constant 0 : i32
      %dma_start3A_421 = arith.constant 0 : i32
      %dma_start3A_422 = arith.constant 0 : i32
      %dma_start3A_423 = tpu.memref_slice %arg11[%select_n3A_293, %dma_start3A_419, %dma_start3A_421, %dma_start3A_422] : memref<3x2x128x32xf32, #tpu.memory_space<vmem>> -> memref<1x1x128x32xf32, #tpu.memory_space<vmem>>
      %dma_start3A_424 = tpu.memref_squeeze %dma_start3A_423 : memref<1x1x128x32xf32, #tpu.memory_space<vmem>> -> memref<128x32xf32, #tpu.memory_space<vmem>>
      %dma_start3A_425 = arith.constant 0 : i32
      %dma_start3A_426 = tpu.memref_slice %arg10[%select_n3A_327, %dma_start3A_420, %dma_start3A_425] : memref<4x2x128xi32, #tpu.memory_space<vmem>> -> memref<1x1x128xi32, #tpu.memory_space<vmem>>
      %dma_start3A_427 = tpu.memref_squeeze %dma_start3A_426 : memref<1x1x128xi32, #tpu.memory_space<vmem>> -> memref<128xi32, #tpu.memory_space<vmem>>
      %dma_start3A_428 = arith.constant 0 : i32
      %dma_start3A_429 = arith.constant 0 : i32
      %dma_start3A_430 = tpu.memref_slice %arg12[%dma_start3A_428, %dma_start3A_429] : memref<50048x32xf32, #tpu.memory_space<vmem_shared>> -> memref<50048x32xf32, #tpu.memory_space<vmem_shared>>
      tpu.enqueue_indirect_dma source(%dma_start3A_424 : memref<128x32xf32, #tpu.memory_space<vmem>>) target(%dma_start3A_430 : memref<50048x32xf32, #tpu.memory_space<vmem_shared>>) offsets(%dma_start3A_427 : memref<128xi32, #tpu.memory_space<vmem>>) semaphore(%arg14 : memref<!tpu.dma_semaphore, #tpu.memory_space<semaphore_mem>>) {add = true}
      %dma_start3A_431 = arith.constant 1 : i32
      %dma_start3A_432 = arith.constant 1 : i32
      %dma_start3A_433 = arith.constant 0 : i32
      %dma_start3A_434 = arith.constant 0 : i32
      %dma_start3A_435 = tpu.memref_slice %arg11[%select_n3A_293, %dma_start3A_431, %dma_start3A_433, %dma_start3A_434] : memref<3x2x128x32xf32, #tpu.memory_space<vmem>> -> memref<1x1x128x32xf32, #tpu.memory_space<vmem>>
      %dma_start3A_436 = tpu.memref_squeeze %dma_start3A_435 : memref<1x1x128x32xf32, #tpu.memory_space<vmem>> -> memref<128x32xf32, #tpu.memory_space<vmem>>
      %dma_start3A_437 = arith.constant 0 : i32
      %dma_start3A_438 = tpu.memref_slice %arg10[%select_n3A_327, %dma_start3A_432, %dma_start3A_437] : memref<4x2x128xi32, #tpu.memory_space<vmem>> -> memref<1x1x128xi32, #tpu.memory_space<vmem>>
      %dma_start3A_439 = tpu.memref_squeeze %dma_start3A_438 : memref<1x1x128xi32, #tpu.memory_space<vmem>> -> memref<128xi32, #tpu.memory_space<vmem>>
      %dma_start3A_440 = arith.constant 0 : i32
      %dma_start3A_441 = arith.constant 0 : i32
      %dma_start3A_442 = tpu.memref_slice %arg12[%dma_start3A_440, %dma_start3A_441] : memref<50048x32xf32, #tpu.memory_space<vmem_shared>> -> memref<50048x32xf32, #tpu.memory_space<vmem_shared>>
      tpu.enqueue_indirect_dma source(%dma_start3A_436 : memref<128x32xf32, #tpu.memory_space<vmem>>) target(%dma_start3A_442 : memref<50048x32xf32, #tpu.memory_space<vmem_shared>>) offsets(%dma_start3A_439 : memref<128xi32, #tpu.memory_space<vmem>>) semaphore(%arg14 : memref<!tpu.dma_semaphore, #tpu.memory_space<semaphore_mem>>) {add = true}
      %dma_wait3A_443 = arith.constant 0 : i32
      %dma_wait3A_444 = arith.constant 0 : i32
      %dma_wait3A_445 = tpu.memref_slice %arg9[%select_n3A_363, %dma_wait3A_443, %dma_wait3A_444] : memref<4x2x128xi32, #tpu.memory_space<vmem>> -> memref<1x2x128xi32, #tpu.memory_space<vmem>>
      %dma_wait3A_446 = tpu.memref_squeeze %dma_wait3A_445 : memref<1x2x128xi32, #tpu.memory_space<vmem>> -> memref<2x128xi32, #tpu.memory_space<vmem>>
      %dma_wait3A_447 = arith.constant 0 : i32
      %dma_wait3A_448 = arith.constant 0 : i32
      %dma_wait3A_449 = tpu.memref_slice %arg2[%add3A_385, %dma_wait3A_447, %dma_wait3A_448] : memref<3136x2x128xi32, #tpu.memory_space<hbm>> -> memref<1x2x128xi32, #tpu.memory_space<hbm>>
      %dma_wait3A_450 = tpu.memref_squeeze %dma_wait3A_449 : memref<1x2x128xi32, #tpu.memory_space<hbm>> -> memref<2x128xi32, #tpu.memory_space<hbm>>
      %dma_wait3A_451 = arith.constant 0 : i32
      %dma_wait3A_452 = arith.constant 0 : i32
      %dma_wait3A_453 = tpu.memref_slice %arg9[%select_n3A_363, %dma_wait3A_451, %dma_wait3A_452] : memref<4x2x128xi32, #tpu.memory_space<vmem>> -> memref<1x2x128xi32, #tpu.memory_space<vmem>>
      %dma_wait3A_454 = tpu.memref_squeeze %dma_wait3A_453 : memref<1x2x128xi32, #tpu.memory_space<vmem>> -> memref<2x128xi32, #tpu.memory_space<vmem>>
      %dma_wait3A_455 = arith.constant 0 : i32
      %dma_wait3A_456 = arith.constant 0 : i32
      %dma_wait3A_457 = tpu.memref_slice %arg2[%add3A_385, %dma_wait3A_455, %dma_wait3A_456] : memref<3136x2x128xi32, #tpu.memory_space<hbm>> -> memref<1x2x128xi32, #tpu.memory_space<hbm>>
      %dma_wait3A_458 = tpu.memref_squeeze %dma_wait3A_457 : memref<1x2x128xi32, #tpu.memory_space<hbm>> -> memref<2x128xi32, #tpu.memory_space<hbm>>
      tpu.wait_dma2 semaphore(%arg15 : memref<!tpu.dma_semaphore, #tpu.memory_space<semaphore_mem>>) src(%dma_wait3A_458 : memref<2x128xi32, #tpu.memory_space<hbm>>) dst(%dma_wait3A_454 : memref<2x128xi32, #tpu.memory_space<vmem>>)
      %dma_wait3A_459 = arith.constant 0 : i32
      %dma_wait3A_460 = arith.constant 0 : i32
      %dma_wait3A_461 = tpu.memref_slice %arg10[%select_n3A_363, %dma_wait3A_459, %dma_wait3A_460] : memref<4x2x128xi32, #tpu.memory_space<vmem>> -> memref<1x2x128xi32, #tpu.memory_space<vmem>>
      %dma_wait3A_462 = tpu.memref_squeeze %dma_wait3A_461 : memref<1x2x128xi32, #tpu.memory_space<vmem>> -> memref<2x128xi32, #tpu.memory_space<vmem>>
      %dma_wait3A_463 = arith.constant 0 : i32
      %dma_wait3A_464 = arith.constant 0 : i32
      %dma_wait3A_465 = tpu.memref_slice %arg3[%add3A_385, %dma_wait3A_463, %dma_wait3A_464] : memref<3136x2x128xi32, #tpu.memory_space<hbm>> -> memref<1x2x128xi32, #tpu.memory_space<hbm>>
      %dma_wait3A_466 = tpu.memref_squeeze %dma_wait3A_465 : memref<1x2x128xi32, #tpu.memory_space<hbm>> -> memref<2x128xi32, #tpu.memory_space<hbm>>
      %dma_wait3A_467 = arith.constant 0 : i32
      %dma_wait3A_468 = arith.constant 0 : i32
      %dma_wait3A_469 = tpu.memref_slice %arg10[%select_n3A_363, %dma_wait3A_467, %dma_wait3A_468] : memref<4x2x128xi32, #tpu.memory_space<vmem>> -> memref<1x2x128xi32, #tpu.memory_space<vmem>>
      %dma_wait3A_470 = tpu.memref_squeeze %dma_wait3A_469 : memref<1x2x128xi32, #tpu.memory_space<vmem>> -> memref<2x128xi32, #tpu.memory_space<vmem>>
      %dma_wait3A_471 = arith.constant 0 : i32
      %dma_wait3A_472 = arith.constant 0 : i32
      %dma_wait3A_473 = tpu.memref_slice %arg3[%add3A_385, %dma_wait3A_471, %dma_wait3A_472] : memref<3136x2x128xi32, #tpu.memory_space<hbm>> -> memref<1x2x128xi32, #tpu.memory_space<hbm>>
      %dma_wait3A_474 = tpu.memref_squeeze %dma_wait3A_473 : memref<1x2x128xi32, #tpu.memory_space<hbm>> -> memref<2x128xi32, #tpu.memory_space<hbm>>
      tpu.wait_dma2 semaphore(%arg15 : memref<!tpu.dma_semaphore, #tpu.memory_space<semaphore_mem>>) src(%dma_wait3A_474 : memref<2x128xi32, #tpu.memory_space<hbm>>) dst(%dma_wait3A_470 : memref<2x128xi32, #tpu.memory_space<vmem>>)
      %eq3A_475 = arith.constant 0 : i32
      %eq3A_476 = arith.cmpi eq, %arg0, %eq3A_475 : i32
      %convert_element_type3A_477 = arith.extui %eq3A_476 : i1 to i32
      %cond3A_478 = arith.constant 0 : i32
      %cond3A_479 = arith.cmpi ne, %convert_element_type3A_477, %cond3A_478 : i32
      scf.if %cond3A_479 {
        %dma_start3A_527 = arith.constant 0 : i32
        %dma_start3A_528 = arith.constant 0 : i32
        %dma_start3A_529 = arith.constant 0 : i32
        %dma_start3A_530 = arith.constant 0 : i32
        %dma_start3A_531 = tpu.memref_slice %arg11[%select_n3A_311, %dma_start3A_528, %dma_start3A_529, %dma_start3A_530] : memref<3x2x128x32xf32, #tpu.memory_space<vmem>> -> memref<1x1x128x32xf32, #tpu.memory_space<vmem>>
        %dma_start3A_532 = tpu.memref_squeeze %dma_start3A_531 : memref<1x1x128x32xf32, #tpu.memory_space<vmem>> -> memref<128x32xf32, #tpu.memory_space<vmem>>
        %dma_start3A_533 = arith.constant 0 : i32
        %dma_start3A_534 = tpu.memref_slice %arg9[%select_n3A_363, %dma_start3A_527, %dma_start3A_533] : memref<4x2x128xi32, #tpu.memory_space<vmem>> -> memref<1x1x128xi32, #tpu.memory_space<vmem>>
        %dma_start3A_535 = tpu.memref_squeeze %dma_start3A_534 : memref<1x1x128xi32, #tpu.memory_space<vmem>> -> memref<128xi32, #tpu.memory_space<vmem>>
        %dma_start3A_536 = arith.constant 0 : i32
        %dma_start3A_537 = arith.constant 0 : i32
        %dma_start3A_538 = tpu.memref_slice %arg4[%dma_start3A_536, %dma_start3A_537] : memref<50000x32xf32, #tpu.memory_space<hbm>> -> memref<50000x32xf32, #tpu.memory_space<hbm>>
        tpu.enqueue_indirect_dma source(%dma_start3A_538 : memref<50000x32xf32, #tpu.memory_space<hbm>>) target(%dma_start3A_532 : memref<128x32xf32, #tpu.memory_space<vmem>>) offsets(%dma_start3A_535 : memref<128xi32, #tpu.memory_space<vmem>>) semaphore(%arg13 : memref<!tpu.dma_semaphore, #tpu.memory_space<semaphore_mem>>)
      } else {
      }
      %eq3A_480 = arith.constant 1 : i32
      %eq3A_481 = arith.cmpi eq, %arg0, %eq3A_480 : i32
      %convert_element_type3A_482 = arith.extui %eq3A_481 : i1 to i32
      %cond3A_483 = arith.constant 0 : i32
      %cond3A_484 = arith.cmpi ne, %convert_element_type3A_482, %cond3A_483 : i32
      scf.if %cond3A_484 {
        %dma_start3A_527 = arith.constant 0 : i32
        %dma_start3A_528 = arith.constant 0 : i32
        %dma_start3A_529 = arith.constant 0 : i32
        %dma_start3A_530 = arith.constant 0 : i32
        %dma_start3A_531 = tpu.memref_slice %arg11[%select_n3A_311, %dma_start3A_528, %dma_start3A_529, %dma_start3A_530] : memref<3x2x128x32xf32, #tpu.memory_space<vmem>> -> memref<1x1x128x32xf32, #tpu.memory_space<vmem>>
        %dma_start3A_532 = tpu.memref_squeeze %dma_start3A_531 : memref<1x1x128x32xf32, #tpu.memory_space<vmem>> -> memref<128x32xf32, #tpu.memory_space<vmem>>
        %dma_start3A_533 = arith.constant 0 : i32
        %dma_start3A_534 = tpu.memref_slice %arg9[%select_n3A_363, %dma_start3A_527, %dma_start3A_533] : memref<4x2x128xi32, #tpu.memory_space<vmem>> -> memref<1x1x128xi32, #tpu.memory_space<vmem>>
        %dma_start3A_535 = tpu.memref_squeeze %dma_start3A_534 : memref<1x1x128xi32, #tpu.memory_space<vmem>> -> memref<128xi32, #tpu.memory_space<vmem>>
        %dma_start3A_536 = arith.constant 0 : i32
        %dma_start3A_537 = arith.constant 0 : i32
        %dma_start3A_538 = tpu.memref_slice %arg5[%dma_start3A_536, %dma_start3A_537] : memref<50000x32xf32, #tpu.memory_space<hbm>> -> memref<50000x32xf32, #tpu.memory_space<hbm>>
        tpu.enqueue_indirect_dma source(%dma_start3A_538 : memref<50000x32xf32, #tpu.memory_space<hbm>>) target(%dma_start3A_532 : memref<128x32xf32, #tpu.memory_space<vmem>>) offsets(%dma_start3A_535 : memref<128xi32, #tpu.memory_space<vmem>>) semaphore(%arg13 : memref<!tpu.dma_semaphore, #tpu.memory_space<semaphore_mem>>)
      } else {
      }
      %eq3A_485 = arith.constant 0 : i32
      %eq3A_486 = arith.cmpi eq, %arg0, %eq3A_485 : i32
      %convert_element_type3A_487 = arith.extui %eq3A_486 : i1 to i32
      %cond3A_488 = arith.constant 0 : i32
      %cond3A_489 = arith.cmpi ne, %convert_element_type3A_487, %cond3A_488 : i32
      scf.if %cond3A_489 {
        %dma_start3A_527 = arith.constant 1 : i32
        %dma_start3A_528 = arith.constant 1 : i32
        %dma_start3A_529 = arith.constant 0 : i32
        %dma_start3A_530 = arith.constant 0 : i32
        %dma_start3A_531 = tpu.memref_slice %arg11[%select_n3A_311, %dma_start3A_528, %dma_start3A_529, %dma_start3A_530] : memref<3x2x128x32xf32, #tpu.memory_space<vmem>> -> memref<1x1x128x32xf32, #tpu.memory_space<vmem>>
        %dma_start3A_532 = tpu.memref_squeeze %dma_start3A_531 : memref<1x1x128x32xf32, #tpu.memory_space<vmem>> -> memref<128x32xf32, #tpu.memory_space<vmem>>
        %dma_start3A_533 = arith.constant 0 : i32
        %dma_start3A_534 = tpu.memref_slice %arg9[%select_n3A_363, %dma_start3A_527, %dma_start3A_533] : memref<4x2x128xi32, #tpu.memory_space<vmem>> -> memref<1x1x128xi32, #tpu.memory_space<vmem>>
        %dma_start3A_535 = tpu.memref_squeeze %dma_start3A_534 : memref<1x1x128xi32, #tpu.memory_space<vmem>> -> memref<128xi32, #tpu.memory_space<vmem>>
        %dma_start3A_536 = arith.constant 0 : i32
        %dma_start3A_537 = arith.constant 0 : i32
        %dma_start3A_538 = tpu.memref_slice %arg4[%dma_start3A_536, %dma_start3A_537] : memref<50000x32xf32, #tpu.memory_space<hbm>> -> memref<50000x32xf32, #tpu.memory_space<hbm>>
        tpu.enqueue_indirect_dma source(%dma_start3A_538 : memref<50000x32xf32, #tpu.memory_space<hbm>>) target(%dma_start3A_532 : memref<128x32xf32, #tpu.memory_space<vmem>>) offsets(%dma_start3A_535 : memref<128xi32, #tpu.memory_space<vmem>>) semaphore(%arg13 : memref<!tpu.dma_semaphore, #tpu.memory_space<semaphore_mem>>)
      } else {
      }
      %eq3A_490 = arith.constant 1 : i32
      %eq3A_491 = arith.cmpi eq, %arg0, %eq3A_490 : i32
      %convert_element_type3A_492 = arith.extui %eq3A_491 : i1 to i32
      %cond3A_493 = arith.constant 0 : i32
      %cond3A_494 = arith.cmpi ne, %convert_element_type3A_492, %cond3A_493 : i32
      scf.if %cond3A_494 {
        %dma_start3A_527 = arith.constant 1 : i32
        %dma_start3A_528 = arith.constant 1 : i32
        %dma_start3A_529 = arith.constant 0 : i32
        %dma_start3A_530 = arith.constant 0 : i32
        %dma_start3A_531 = tpu.memref_slice %arg11[%select_n3A_311, %dma_start3A_528, %dma_start3A_529, %dma_start3A_530] : memref<3x2x128x32xf32, #tpu.memory_space<vmem>> -> memref<1x1x128x32xf32, #tpu.memory_space<vmem>>
        %dma_start3A_532 = tpu.memref_squeeze %dma_start3A_531 : memref<1x1x128x32xf32, #tpu.memory_space<vmem>> -> memref<128x32xf32, #tpu.memory_space<vmem>>
        %dma_start3A_533 = arith.constant 0 : i32
        %dma_start3A_534 = tpu.memref_slice %arg9[%select_n3A_363, %dma_start3A_527, %dma_start3A_533] : memref<4x2x128xi32, #tpu.memory_space<vmem>> -> memref<1x1x128xi32, #tpu.memory_space<vmem>>
        %dma_start3A_535 = tpu.memref_squeeze %dma_start3A_534 : memref<1x1x128xi32, #tpu.memory_space<vmem>> -> memref<128xi32, #tpu.memory_space<vmem>>
        %dma_start3A_536 = arith.constant 0 : i32
        %dma_start3A_537 = arith.constant 0 : i32
        %dma_start3A_538 = tpu.memref_slice %arg5[%dma_start3A_536, %dma_start3A_537] : memref<50000x32xf32, #tpu.memory_space<hbm>> -> memref<50000x32xf32, #tpu.memory_space<hbm>>
        tpu.enqueue_indirect_dma source(%dma_start3A_538 : memref<50000x32xf32, #tpu.memory_space<hbm>>) target(%dma_start3A_532 : memref<128x32xf32, #tpu.memory_space<vmem>>) offsets(%dma_start3A_535 : memref<128xi32, #tpu.memory_space<vmem>>) semaphore(%arg13 : memref<!tpu.dma_semaphore, #tpu.memory_space<semaphore_mem>>)
      } else {
      }
      %dma_start3A_495 = arith.constant 0 : i32
      %dma_start3A_496 = arith.constant 0 : i32
      %dma_start3A_497 = tpu.memref_slice %arg9[%select_n3A_381, %dma_start3A_495, %dma_start3A_496] : memref<4x2x128xi32, #tpu.memory_space<vmem>> -> memref<1x2x128xi32, #tpu.memory_space<vmem>>
      %dma_start3A_498 = tpu.memref_squeeze %dma_start3A_497 : memref<1x2x128xi32, #tpu.memory_space<vmem>> -> memref<2x128xi32, #tpu.memory_space<vmem>>
      %dma_start3A_499 = arith.constant 0 : i32
      %dma_start3A_500 = arith.constant 0 : i32
      %dma_start3A_501 = tpu.memref_slice %arg2[%add3A_390, %dma_start3A_499, %dma_start3A_500] : memref<3136x2x128xi32, #tpu.memory_space<hbm>> -> memref<1x2x128xi32, #tpu.memory_space<hbm>>
      %dma_start3A_502 = tpu.memref_squeeze %dma_start3A_501 : memref<1x2x128xi32, #tpu.memory_space<hbm>> -> memref<2x128xi32, #tpu.memory_space<hbm>>
      %dma_start3A_503 = arith.constant 0 : i32
      %dma_start3A_504 = arith.constant 0 : i32
      %dma_start3A_505 = tpu.memref_slice %arg9[%select_n3A_381, %dma_start3A_503, %dma_start3A_504] : memref<4x2x128xi32, #tpu.memory_space<vmem>> -> memref<1x2x128xi32, #tpu.memory_space<vmem>>
      %dma_start3A_506 = tpu.memref_squeeze %dma_start3A_505 : memref<1x2x128xi32, #tpu.memory_space<vmem>> -> memref<2x128xi32, #tpu.memory_space<vmem>>
      %dma_start3A_507 = arith.constant 0 : i32
      %dma_start3A_508 = arith.constant 0 : i32
      %dma_start3A_509 = tpu.memref_slice %arg2[%add3A_390, %dma_start3A_507, %dma_start3A_508] : memref<3136x2x128xi32, #tpu.memory_space<hbm>> -> memref<1x2x128xi32, #tpu.memory_space<hbm>>
      %dma_start3A_510 = tpu.memref_squeeze %dma_start3A_509 : memref<1x2x128xi32, #tpu.memory_space<hbm>> -> memref<2x128xi32, #tpu.memory_space<hbm>>
      tpu.enqueue_dma source(%dma_start3A_510 : memref<2x128xi32, #tpu.memory_space<hbm>>) target(%dma_start3A_506 : memref<2x128xi32, #tpu.memory_space<vmem>>) target_semaphore(%arg15 : memref<!tpu.dma_semaphore, #tpu.memory_space<semaphore_mem>>)
      %dma_start3A_511 = arith.constant 0 : i32
      %dma_start3A_512 = arith.constant 0 : i32
      %dma_start3A_513 = tpu.memref_slice %arg10[%select_n3A_381, %dma_start3A_511, %dma_start3A_512] : memref<4x2x128xi32, #tpu.memory_space<vmem>> -> memref<1x2x128xi32, #tpu.memory_space<vmem>>
      %dma_start3A_514 = tpu.memref_squeeze %dma_start3A_513 : memref<1x2x128xi32, #tpu.memory_space<vmem>> -> memref<2x128xi32, #tpu.memory_space<vmem>>
      %dma_start3A_515 = arith.constant 0 : i32
      %dma_start3A_516 = arith.constant 0 : i32
      %dma_start3A_517 = tpu.memref_slice %arg3[%add3A_390, %dma_start3A_515, %dma_start3A_516] : memref<3136x2x128xi32, #tpu.memory_space<hbm>> -> memref<1x2x128xi32, #tpu.memory_space<hbm>>
      %dma_start3A_518 = tpu.memref_squeeze %dma_start3A_517 : memref<1x2x128xi32, #tpu.memory_space<hbm>> -> memref<2x128xi32, #tpu.memory_space<hbm>>
      %dma_start3A_519 = arith.constant 0 : i32
      %dma_start3A_520 = arith.constant 0 : i32
      %dma_start3A_521 = tpu.memref_slice %arg10[%select_n3A_381, %dma_start3A_519, %dma_start3A_520] : memref<4x2x128xi32, #tpu.memory_space<vmem>> -> memref<1x2x128xi32, #tpu.memory_space<vmem>>
      %dma_start3A_522 = tpu.memref_squeeze %dma_start3A_521 : memref<1x2x128xi32, #tpu.memory_space<vmem>> -> memref<2x128xi32, #tpu.memory_space<vmem>>
      %dma_start3A_523 = arith.constant 0 : i32
      %dma_start3A_524 = arith.constant 0 : i32
      %dma_start3A_525 = tpu.memref_slice %arg3[%add3A_390, %dma_start3A_523, %dma_start3A_524] : memref<3136x2x128xi32, #tpu.memory_space<hbm>> -> memref<1x2x128xi32, #tpu.memory_space<hbm>>
      %dma_start3A_526 = tpu.memref_squeeze %dma_start3A_525 : memref<1x2x128xi32, #tpu.memory_space<hbm>> -> memref<2x128xi32, #tpu.memory_space<hbm>>
      tpu.enqueue_dma source(%dma_start3A_526 : memref<2x128xi32, #tpu.memory_space<hbm>>) target(%dma_start3A_522 : memref<2x128xi32, #tpu.memory_space<vmem>>) target_semaphore(%arg15 : memref<!tpu.dma_semaphore, #tpu.memory_space<semaphore_mem>>)
    }
    %scan3A_150 = arith.constant 196 : i32
    %dma_wait3A_151 = arith.constant 0 : i32
    %dma_wait3A_152 = arith.constant 0 : i32
    %dma_wait3A_153 = arith.constant 3 : i32
    %dma_wait3A_154 = arith.constant 0 : i32
    %dma_wait3A_155 = arith.constant 0 : i32
    %dma_wait3A_156 = arith.constant 0 : i32
    %dma_wait3A_157 = tpu.memref_slice %arg11[%dma_wait3A_151, %dma_wait3A_152, %dma_wait3A_155, %dma_wait3A_156] : memref<3x2x128x32xf32, #tpu.memory_space<vmem>> -> memref<1x1x128x32xf32, #tpu.memory_space<vmem>>
    %dma_wait3A_158 = tpu.memref_squeeze %dma_wait3A_157 : memref<1x1x128x32xf32, #tpu.memory_space<vmem>> -> memref<128x32xf32, #tpu.memory_space<vmem>>
    %dma_wait3A_159 = arith.constant 0 : i32
    %dma_wait3A_160 = tpu.memref_slice %arg10[%dma_wait3A_153, %dma_wait3A_154, %dma_wait3A_159] : memref<4x2x128xi32, #tpu.memory_space<vmem>> -> memref<1x1x128xi32, #tpu.memory_space<vmem>>
    %dma_wait3A_161 = tpu.memref_squeeze %dma_wait3A_160 : memref<1x1x128xi32, #tpu.memory_space<vmem>> -> memref<128xi32, #tpu.memory_space<vmem>>
    %dma_wait3A_162 = arith.constant 0 : i32
    %dma_wait3A_163 = arith.constant 0 : i32
    %dma_wait3A_164 = tpu.memref_slice %arg12[%dma_wait3A_162, %dma_wait3A_163] : memref<50048x32xf32, #tpu.memory_space<vmem_shared>> -> memref<50048x32xf32, #tpu.memory_space<vmem_shared>>
    tpu.wait_indirect_dma semaphore(%arg14 : memref<!tpu.dma_semaphore, #tpu.memory_space<semaphore_mem>>) src(%dma_wait3A_158 : memref<128x32xf32, #tpu.memory_space<vmem>>) dst(%dma_wait3A_164 : memref<50048x32xf32, #tpu.memory_space<vmem_shared>>)
    %dma_wait3A_165 = arith.constant 0 : i32
    %dma_wait3A_166 = arith.constant 1 : i32
    %dma_wait3A_167 = arith.constant 3 : i32
    %dma_wait3A_168 = arith.constant 1 : i32
    %dma_wait3A_169 = arith.constant 0 : i32
    %dma_wait3A_170 = arith.constant 0 : i32
    %dma_wait3A_171 = tpu.memref_slice %arg11[%dma_wait3A_165, %dma_wait3A_166, %dma_wait3A_169, %dma_wait3A_170] : memref<3x2x128x32xf32, #tpu.memory_space<vmem>> -> memref<1x1x128x32xf32, #tpu.memory_space<vmem>>
    %dma_wait3A_172 = tpu.memref_squeeze %dma_wait3A_171 : memref<1x1x128x32xf32, #tpu.memory_space<vmem>> -> memref<128x32xf32, #tpu.memory_space<vmem>>
    %dma_wait3A_173 = arith.constant 0 : i32
    %dma_wait3A_174 = tpu.memref_slice %arg10[%dma_wait3A_167, %dma_wait3A_168, %dma_wait3A_173] : memref<4x2x128xi32, #tpu.memory_space<vmem>> -> memref<1x1x128xi32, #tpu.memory_space<vmem>>
    %dma_wait3A_175 = tpu.memref_squeeze %dma_wait3A_174 : memref<1x1x128xi32, #tpu.memory_space<vmem>> -> memref<128xi32, #tpu.memory_space<vmem>>
    %dma_wait3A_176 = arith.constant 0 : i32
    %dma_wait3A_177 = arith.constant 0 : i32
    %dma_wait3A_178 = tpu.memref_slice %arg12[%dma_wait3A_176, %dma_wait3A_177] : memref<50048x32xf32, #tpu.memory_space<vmem_shared>> -> memref<50048x32xf32, #tpu.memory_space<vmem_shared>>
    tpu.wait_indirect_dma semaphore(%arg14 : memref<!tpu.dma_semaphore, #tpu.memory_space<semaphore_mem>>) src(%dma_wait3A_172 : memref<128x32xf32, #tpu.memory_space<vmem>>) dst(%dma_wait3A_178 : memref<50048x32xf32, #tpu.memory_space<vmem_shared>>)
    %dma_wait3A_179 = arith.constant 0 : i32
    %dma_wait3A_180 = arith.constant 0 : i32
    %dma_wait3A_181 = arith.constant 1 : i32
    %dma_wait3A_182 = arith.constant 0 : i32
    %dma_wait3A_183 = arith.constant 0 : i32
    %dma_wait3A_184 = arith.constant 0 : i32
    %dma_wait3A_185 = tpu.memref_slice %arg11[%dma_wait3A_181, %dma_wait3A_182, %dma_wait3A_183, %dma_wait3A_184] : memref<3x2x128x32xf32, #tpu.memory_space<vmem>> -> memref<1x1x128x32xf32, #tpu.memory_space<vmem>>
    %dma_wait3A_186 = tpu.memref_squeeze %dma_wait3A_185 : memref<1x1x128x32xf32, #tpu.memory_space<vmem>> -> memref<128x32xf32, #tpu.memory_space<vmem>>
    %dma_wait3A_187 = arith.constant 0 : i32
    %dma_wait3A_188 = tpu.memref_slice %arg9[%dma_wait3A_179, %dma_wait3A_180, %dma_wait3A_187] : memref<4x2x128xi32, #tpu.memory_space<vmem>> -> memref<1x1x128xi32, #tpu.memory_space<vmem>>
    %dma_wait3A_189 = tpu.memref_squeeze %dma_wait3A_188 : memref<1x1x128xi32, #tpu.memory_space<vmem>> -> memref<128xi32, #tpu.memory_space<vmem>>
    %dma_wait3A_190 = arith.constant 0 : i32
    %dma_wait3A_191 = arith.constant 0 : i32
    %dma_wait3A_192 = tpu.memref_slice %arg4[%dma_wait3A_190, %dma_wait3A_191] : memref<50000x32xf32, #tpu.memory_space<hbm>> -> memref<50000x32xf32, #tpu.memory_space<hbm>>
    tpu.wait_indirect_dma semaphore(%arg13 : memref<!tpu.dma_semaphore, #tpu.memory_space<semaphore_mem>>) src(%dma_wait3A_192 : memref<50000x32xf32, #tpu.memory_space<hbm>>) dst(%dma_wait3A_186 : memref<128x32xf32, #tpu.memory_space<vmem>>)
    %dma_wait3A_193 = arith.constant 0 : i32
    %dma_wait3A_194 = arith.constant 1 : i32
    %dma_wait3A_195 = arith.constant 1 : i32
    %dma_wait3A_196 = arith.constant 1 : i32
    %dma_wait3A_197 = arith.constant 0 : i32
    %dma_wait3A_198 = arith.constant 0 : i32
    %dma_wait3A_199 = tpu.memref_slice %arg11[%dma_wait3A_195, %dma_wait3A_196, %dma_wait3A_197, %dma_wait3A_198] : memref<3x2x128x32xf32, #tpu.memory_space<vmem>> -> memref<1x1x128x32xf32, #tpu.memory_space<vmem>>
    %dma_wait3A_200 = tpu.memref_squeeze %dma_wait3A_199 : memref<1x1x128x32xf32, #tpu.memory_space<vmem>> -> memref<128x32xf32, #tpu.memory_space<vmem>>
    %dma_wait3A_201 = arith.constant 0 : i32
    %dma_wait3A_202 = tpu.memref_slice %arg9[%dma_wait3A_193, %dma_wait3A_194, %dma_wait3A_201] : memref<4x2x128xi32, #tpu.memory_space<vmem>> -> memref<1x1x128xi32, #tpu.memory_space<vmem>>
    %dma_wait3A_203 = tpu.memref_squeeze %dma_wait3A_202 : memref<1x1x128xi32, #tpu.memory_space<vmem>> -> memref<128xi32, #tpu.memory_space<vmem>>
    %dma_wait3A_204 = arith.constant 0 : i32
    %dma_wait3A_205 = arith.constant 0 : i32
    %dma_wait3A_206 = tpu.memref_slice %arg4[%dma_wait3A_204, %dma_wait3A_205] : memref<50000x32xf32, #tpu.memory_space<hbm>> -> memref<50000x32xf32, #tpu.memory_space<hbm>>
    tpu.wait_indirect_dma semaphore(%arg13 : memref<!tpu.dma_semaphore, #tpu.memory_space<semaphore_mem>>) src(%dma_wait3A_206 : memref<50000x32xf32, #tpu.memory_space<hbm>>) dst(%dma_wait3A_200 : memref<128x32xf32, #tpu.memory_space<vmem>>)
    %dma_wait3A_207 = arith.constant 1 : i32
    %dma_wait3A_208 = arith.constant 0 : i32
    %dma_wait3A_209 = arith.constant 2 : i32
    %dma_wait3A_210 = arith.constant 0 : i32
    %dma_wait3A_211 = arith.constant 0 : i32
    %dma_wait3A_212 = arith.constant 0 : i32
    %dma_wait3A_213 = tpu.memref_slice %arg11[%dma_wait3A_209, %dma_wait3A_210, %dma_wait3A_211, %dma_wait3A_212] : memref<3x2x128x32xf32, #tpu.memory_space<vmem>> -> memref<1x1x128x32xf32, #tpu.memory_space<vmem>>
    %dma_wait3A_214 = tpu.memref_squeeze %dma_wait3A_213 : memref<1x1x128x32xf32, #tpu.memory_space<vmem>> -> memref<128x32xf32, #tpu.memory_space<vmem>>
    %dma_wait3A_215 = arith.constant 0 : i32
    %dma_wait3A_216 = tpu.memref_slice %arg9[%dma_wait3A_207, %dma_wait3A_208, %dma_wait3A_215] : memref<4x2x128xi32, #tpu.memory_space<vmem>> -> memref<1x1x128xi32, #tpu.memory_space<vmem>>
    %dma_wait3A_217 = tpu.memref_squeeze %dma_wait3A_216 : memref<1x1x128xi32, #tpu.memory_space<vmem>> -> memref<128xi32, #tpu.memory_space<vmem>>
    %dma_wait3A_218 = arith.constant 0 : i32
    %dma_wait3A_219 = arith.constant 0 : i32
    %dma_wait3A_220 = tpu.memref_slice %arg4[%dma_wait3A_218, %dma_wait3A_219] : memref<50000x32xf32, #tpu.memory_space<hbm>> -> memref<50000x32xf32, #tpu.memory_space<hbm>>
    tpu.wait_indirect_dma semaphore(%arg13 : memref<!tpu.dma_semaphore, #tpu.memory_space<semaphore_mem>>) src(%dma_wait3A_220 : memref<50000x32xf32, #tpu.memory_space<hbm>>) dst(%dma_wait3A_214 : memref<128x32xf32, #tpu.memory_space<vmem>>)
    %dma_wait3A_221 = arith.constant 1 : i32
    %dma_wait3A_222 = arith.constant 1 : i32
    %dma_wait3A_223 = arith.constant 2 : i32
    %dma_wait3A_224 = arith.constant 1 : i32
    %dma_wait3A_225 = arith.constant 0 : i32
    %dma_wait3A_226 = arith.constant 0 : i32
    %dma_wait3A_227 = tpu.memref_slice %arg11[%dma_wait3A_223, %dma_wait3A_224, %dma_wait3A_225, %dma_wait3A_226] : memref<3x2x128x32xf32, #tpu.memory_space<vmem>> -> memref<1x1x128x32xf32, #tpu.memory_space<vmem>>
    %dma_wait3A_228 = tpu.memref_squeeze %dma_wait3A_227 : memref<1x1x128x32xf32, #tpu.memory_space<vmem>> -> memref<128x32xf32, #tpu.memory_space<vmem>>
    %dma_wait3A_229 = arith.constant 0 : i32
    %dma_wait3A_230 = tpu.memref_slice %arg9[%dma_wait3A_221, %dma_wait3A_222, %dma_wait3A_229] : memref<4x2x128xi32, #tpu.memory_space<vmem>> -> memref<1x1x128xi32, #tpu.memory_space<vmem>>
    %dma_wait3A_231 = tpu.memref_squeeze %dma_wait3A_230 : memref<1x1x128xi32, #tpu.memory_space<vmem>> -> memref<128xi32, #tpu.memory_space<vmem>>
    %dma_wait3A_232 = arith.constant 0 : i32
    %dma_wait3A_233 = arith.constant 0 : i32
    %dma_wait3A_234 = tpu.memref_slice %arg4[%dma_wait3A_232, %dma_wait3A_233] : memref<50000x32xf32, #tpu.memory_space<hbm>> -> memref<50000x32xf32, #tpu.memory_space<hbm>>
    tpu.wait_indirect_dma semaphore(%arg13 : memref<!tpu.dma_semaphore, #tpu.memory_space<semaphore_mem>>) src(%dma_wait3A_234 : memref<50000x32xf32, #tpu.memory_space<hbm>>) dst(%dma_wait3A_228 : memref<128x32xf32, #tpu.memory_space<vmem>>)
    %add3A_235 = arith.constant 196 : i32
    %add3A_236 = arith.addi %mul3A_2, %add3A_235 : i32
    %sub3A = arith.constant 1 : i32
    %sub3A_237 = arith.subi %add3A_236, %sub3A : i32
    %dma_wait3A_238 = arith.constant 2 : i32
    %dma_wait3A_239 = arith.constant 0 : i32
    %dma_wait3A_240 = arith.constant 0 : i32
    %dma_wait3A_241 = tpu.memref_slice %arg9[%dma_wait3A_238, %dma_wait3A_239, %dma_wait3A_240] : memref<4x2x128xi32, #tpu.memory_space<vmem>> -> memref<1x2x128xi32, #tpu.memory_space<vmem>>
    %dma_wait3A_242 = tpu.memref_squeeze %dma_wait3A_241 : memref<1x2x128xi32, #tpu.memory_space<vmem>> -> memref<2x128xi32, #tpu.memory_space<vmem>>
    %dma_wait3A_243 = arith.constant 0 : i32
    %dma_wait3A_244 = arith.constant 0 : i32
    %dma_wait3A_245 = tpu.memref_slice %arg2[%sub3A_237, %dma_wait3A_243, %dma_wait3A_244] : memref<3136x2x128xi32, #tpu.memory_space<hbm>> -> memref<1x2x128xi32, #tpu.memory_space<hbm>>
    %dma_wait3A_246 = tpu.memref_squeeze %dma_wait3A_245 : memref<1x2x128xi32, #tpu.memory_space<hbm>> -> memref<2x128xi32, #tpu.memory_space<hbm>>
    %dma_wait3A_247 = arith.constant 0 : i32
    %dma_wait3A_248 = arith.constant 0 : i32
    %dma_wait3A_249 = tpu.memref_slice %arg9[%dma_wait3A_238, %dma_wait3A_247, %dma_wait3A_248] : memref<4x2x128xi32, #tpu.memory_space<vmem>> -> memref<1x2x128xi32, #tpu.memory_space<vmem>>
    %dma_wait3A_250 = tpu.memref_squeeze %dma_wait3A_249 : memref<1x2x128xi32, #tpu.memory_space<vmem>> -> memref<2x128xi32, #tpu.memory_space<vmem>>
    %dma_wait3A_251 = arith.constant 0 : i32
    %dma_wait3A_252 = arith.constant 0 : i32
    %dma_wait3A_253 = tpu.memref_slice %arg2[%sub3A_237, %dma_wait3A_251, %dma_wait3A_252] : memref<3136x2x128xi32, #tpu.memory_space<hbm>> -> memref<1x2x128xi32, #tpu.memory_space<hbm>>
    %dma_wait3A_254 = tpu.memref_squeeze %dma_wait3A_253 : memref<1x2x128xi32, #tpu.memory_space<hbm>> -> memref<2x128xi32, #tpu.memory_space<hbm>>
    tpu.wait_dma2 semaphore(%arg15 : memref<!tpu.dma_semaphore, #tpu.memory_space<semaphore_mem>>) src(%dma_wait3A_254 : memref<2x128xi32, #tpu.memory_space<hbm>>) dst(%dma_wait3A_250 : memref<2x128xi32, #tpu.memory_space<vmem>>)
    %dma_wait3A_255 = arith.constant 2 : i32
    %dma_wait3A_256 = arith.constant 0 : i32
    %dma_wait3A_257 = arith.constant 0 : i32
    %dma_wait3A_258 = tpu.memref_slice %arg10[%dma_wait3A_255, %dma_wait3A_256, %dma_wait3A_257] : memref<4x2x128xi32, #tpu.memory_space<vmem>> -> memref<1x2x128xi32, #tpu.memory_space<vmem>>
    %dma_wait3A_259 = tpu.memref_squeeze %dma_wait3A_258 : memref<1x2x128xi32, #tpu.memory_space<vmem>> -> memref<2x128xi32, #tpu.memory_space<vmem>>
    %dma_wait3A_260 = arith.constant 0 : i32
    %dma_wait3A_261 = arith.constant 0 : i32
    %dma_wait3A_262 = tpu.memref_slice %arg3[%sub3A_237, %dma_wait3A_260, %dma_wait3A_261] : memref<3136x2x128xi32, #tpu.memory_space<hbm>> -> memref<1x2x128xi32, #tpu.memory_space<hbm>>
    %dma_wait3A_263 = tpu.memref_squeeze %dma_wait3A_262 : memref<1x2x128xi32, #tpu.memory_space<hbm>> -> memref<2x128xi32, #tpu.memory_space<hbm>>
    %dma_wait3A_264 = arith.constant 0 : i32
    %dma_wait3A_265 = arith.constant 0 : i32
    %dma_wait3A_266 = tpu.memref_slice %arg10[%dma_wait3A_255, %dma_wait3A_264, %dma_wait3A_265] : memref<4x2x128xi32, #tpu.memory_space<vmem>> -> memref<1x2x128xi32, #tpu.memory_space<vmem>>
    %dma_wait3A_267 = tpu.memref_squeeze %dma_wait3A_266 : memref<1x2x128xi32, #tpu.memory_space<vmem>> -> memref<2x128xi32, #tpu.memory_space<vmem>>
    %dma_wait3A_268 = arith.constant 0 : i32
    %dma_wait3A_269 = arith.constant 0 : i32
    %dma_wait3A_270 = tpu.memref_slice %arg3[%sub3A_237, %dma_wait3A_268, %dma_wait3A_269] : memref<3136x2x128xi32, #tpu.memory_space<hbm>> -> memref<1x2x128xi32, #tpu.memory_space<hbm>>
    %dma_wait3A_271 = tpu.memref_squeeze %dma_wait3A_270 : memref<1x2x128xi32, #tpu.memory_space<hbm>> -> memref<2x128xi32, #tpu.memory_space<hbm>>
    tpu.wait_dma2 semaphore(%arg15 : memref<!tpu.dma_semaphore, #tpu.memory_space<semaphore_mem>>) src(%dma_wait3A_271 : memref<2x128xi32, #tpu.memory_space<hbm>>) dst(%dma_wait3A_267 : memref<2x128xi32, #tpu.memory_space<vmem>>)
    %barrier3A_272 = arith.constant 0 : index
    tpu.barrier barrier_id(%barrier3A_272)
    %eq3A_273 = arith.constant 0 : i32
    %eq3A_274 = arith.cmpi eq, %arg0, %eq3A_273 : i32
    %convert_element_type3A_275 = arith.extui %eq3A_274 : i1 to i32
    %cond3A_276 = arith.constant 0 : i32
    %cond3A_277 = arith.cmpi ne, %convert_element_type3A_275, %cond3A_276 : i32
    scf.if %cond3A_277 {
      "tpu.region"() ({
        %run_scoped3A_283 = tpu.sem_alloc : memref<!tpu.dma_semaphore, #tpu.memory_space<semaphore_mem>>
        %dma_start3A_284 = arith.constant 0 : i32
        %dma_start3A_285 = tpu.memref_slice %arg7[%mul3A_0, %dma_start3A_284] : memref<50048x32xf32, #tpu.memory_space<hbm>> -> memref<3128x32xf32, #tpu.memory_space<hbm>>
        %dma_start3A_286 = arith.constant 0 : i32
        %dma_start3A_287 = tpu.memref_slice %arg12[%mul3A_0, %dma_start3A_286] : memref<50048x32xf32, #tpu.memory_space<vmem_shared>> -> memref<3128x32xf32, #tpu.memory_space<vmem_shared>>
        tpu.enqueue_dma source(%dma_start3A_287 : memref<3128x32xf32, #tpu.memory_space<vmem_shared>>) target(%dma_start3A_285 : memref<3128x32xf32, #tpu.memory_space<hbm>>) target_semaphore(%run_scoped3A_283 : memref<!tpu.dma_semaphore, #tpu.memory_space<semaphore_mem>>)
        %dma_wait3A_288 = arith.constant 0 : i32
        %dma_wait3A_289 = tpu.memref_slice %arg7[%mul3A_0, %dma_wait3A_288] : memref<50048x32xf32, #tpu.memory_space<hbm>> -> memref<3128x32xf32, #tpu.memory_space<hbm>>
        %dma_wait3A_290 = arith.constant 0 : i32
        %dma_wait3A_291 = tpu.memref_slice %arg12[%mul3A_0, %dma_wait3A_290] : memref<50048x32xf32, #tpu.memory_space<vmem_shared>> -> memref<3128x32xf32, #tpu.memory_space<vmem_shared>>
        tpu.wait_dma2 semaphore(%run_scoped3A_283 : memref<!tpu.dma_semaphore, #tpu.memory_space<semaphore_mem>>) src(%dma_wait3A_291 : memref<3128x32xf32, #tpu.memory_space<vmem_shared>>) dst(%dma_wait3A_289 : memref<3128x32xf32, #tpu.memory_space<hbm>>)
        tpu.yield
      }) : () -> ()
    } else {
    }
    %eq3A_278 = arith.constant 1 : i32
    %eq3A_279 = arith.cmpi eq, %arg0, %eq3A_278 : i32
    %convert_element_type3A_280 = arith.extui %eq3A_279 : i1 to i32
    %cond3A_281 = arith.constant 0 : i32
    %cond3A_282 = arith.cmpi ne, %convert_element_type3A_280, %cond3A_281 : i32
    scf.if %cond3A_282 {
      "tpu.region"() ({
        %run_scoped3A_283 = tpu.sem_alloc : memref<!tpu.dma_semaphore, #tpu.memory_space<semaphore_mem>>
        %dma_start3A_284 = arith.constant 0 : i32
        %dma_start3A_285 = tpu.memref_slice %arg8[%mul3A_0, %dma_start3A_284] : memref<50048x32xf32, #tpu.memory_space<hbm>> -> memref<3128x32xf32, #tpu.memory_space<hbm>>
        %dma_start3A_286 = arith.constant 0 : i32
        %dma_start3A_287 = tpu.memref_slice %arg12[%mul3A_0, %dma_start3A_286] : memref<50048x32xf32, #tpu.memory_space<vmem_shared>> -> memref<3128x32xf32, #tpu.memory_space<vmem_shared>>
        tpu.enqueue_dma source(%dma_start3A_287 : memref<3128x32xf32, #tpu.memory_space<vmem_shared>>) target(%dma_start3A_285 : memref<3128x32xf32, #tpu.memory_space<hbm>>) target_semaphore(%run_scoped3A_283 : memref<!tpu.dma_semaphore, #tpu.memory_space<semaphore_mem>>)
        %dma_wait3A_288 = arith.constant 0 : i32
        %dma_wait3A_289 = tpu.memref_slice %arg8[%mul3A_0, %dma_wait3A_288] : memref<50048x32xf32, #tpu.memory_space<hbm>> -> memref<3128x32xf32, #tpu.memory_space<hbm>>
        %dma_wait3A_290 = arith.constant 0 : i32
        %dma_wait3A_291 = tpu.memref_slice %arg12[%mul3A_0, %dma_wait3A_290] : memref<50048x32xf32, #tpu.memory_space<vmem_shared>> -> memref<3128x32xf32, #tpu.memory_space<vmem_shared>>
        tpu.wait_dma2 semaphore(%run_scoped3A_283 : memref<!tpu.dma_semaphore, #tpu.memory_space<semaphore_mem>>) src(%dma_wait3A_291 : memref<3128x32xf32, #tpu.memory_space<vmem_shared>>) dst(%dma_wait3A_289 : memref<3128x32xf32, #tpu.memory_space<hbm>>)
        tpu.yield
      }) : () -> ()
    } else {
    }
    return
  }
}

module attributes {stable_mosaic.version = 14 : i64} {
  func.func @_mm_body(%arg0: i32, %arg1: memref<2000x128xf32, #tpu.memory_space<vmem>>, %arg2: memref<128x64xf32, #tpu.memory_space<vmem>>, %arg3: memref<1x64xf32, #tpu.memory_space<vmem>>, %arg4: memref<2000x32xf32, #tpu.memory_space<vmem>>, %arg5: memref<2000x32xf32, #tpu.memory_space<vmem>>) attributes {dimension_semantics = [#tpu.dimension_semantics<arbitrary>], iteration_bounds = array<i64: 25>, scalar_prefetch = 0 : i64, scratch_operands = 0 : i64, tpu.core_type = #tpu.core_type<tc>, window_params = [{transform_indices = @transform_0, window_bounds = array<i64: 2000, 128>}, {pipeline_mode = #tpu.pipeline_mode<synchronous>, transform_indices = @transform_1, window_bounds = array<i64: 128, 64>}, {pipeline_mode = #tpu.pipeline_mode<synchronous>, transform_indices = @transform_2, window_bounds = array<i64: 1, 64>}, {transform_indices = @transform_3, window_bounds = array<i64: 2000, 32>}, {transform_indices = @transform_4, window_bounds = array<i64: 2000, 32>}]} {
    %get3A = arith.constant 0 : index
    %get3A_0 = arith.constant 0 : index
    %get3A_1 = vector.load %arg1[%get3A, %get3A_0] : memref<2000x128xf32, #tpu.memory_space<vmem>>, vector<2000x128xf32>
    %get3A_2 = arith.constant 0 : index
    %get3A_3 = arith.constant 0 : index
    %get3A_4 = vector.load %arg2[%get3A_2, %get3A_3] : memref<128x64xf32, #tpu.memory_space<vmem>>, vector<128x64xf32>
    %dot_general3A = arith.constant dense<0.000000e+00> : vector<2000x64xf32>
    %dot_general3A_5 = tpu.matmul %get3A_1, %get3A_4, %dot_general3A {dimension_numbers = #tpu.dot_dimension_numbers<[1], [0], [0], [1], [0, 0, 1, 1], [], []>, transpose_lhs_hint = false} : vector<2000x128xf32>, vector<128x64xf32>, vector<2000x64xf32> -> vector<2000x64xf32>
    %get3A_6 = arith.constant 0 : index
    %get3A_7 = arith.constant 0 : index
    %get3A_8 = vector.load %arg3[%get3A_6, %get3A_7] : memref<1x64xf32, #tpu.memory_space<vmem>>, vector<1x64xf32>
    %add3A = vector.broadcast %get3A_8 : vector<1x64xf32> to vector<2000x64xf32>
    %add3A_9 = arith.addf %dot_general3A_5, %add3A : vector<2000x64xf32>
    %max3A = arith.constant 0.000000e+00 : f32
    %max3A_10 = vector.broadcast %max3A : f32 to vector<2000x64xf32>
    %max3A_11 = arith.maximumf %add3A_9, %max3A_10 : vector<2000x64xf32>
    %abs3A = math.absf %add3A_9 : vector<2000x64xf32>
    %neg3A = arith.constant 0.000000e+00 : f32
    %neg3A_12 = vector.broadcast %neg3A : f32 to vector<2000x64xf32>
    %neg3A_13 = arith.subf %neg3A_12, %abs3A : vector<2000x64xf32>
    %exp3A = math.exp %neg3A_13 : vector<2000x64xf32>
    %log1p3A = math.log1p %exp3A : vector<2000x64xf32>
    %add3A_14 = arith.addf %max3A_11, %log1p3A : vector<2000x64xf32>
    %slice3A = vector.extract_strided_slice %add3A_14 {offsets = [0, 0], sizes = [2000, 32], strides = [1, 1]} : vector<2000x64xf32> to vector<2000x32xf32>
    %swap3A = arith.constant 0 : index
    %swap3A_15 = arith.constant 0 : index
    %swap3A_16 = vector.load %arg4[%swap3A, %swap3A_15] : memref<2000x32xf32, #tpu.memory_space<vmem>>, vector<2000x32xf32>
    tpu.vector_store %arg4[%swap3A, %swap3A_15], %slice3A {strides = array<i32>} : memref<2000x32xf32, #tpu.memory_space<vmem>>, vector<2000x32xf32>,
    %slice3A_17 = vector.extract_strided_slice %add3A_14 {offsets = [0, 32], sizes = [2000, 32], strides = [1, 1]} : vector<2000x64xf32> to vector<2000x32xf32>
    %swap3A_18 = arith.constant 0 : index
    %swap3A_19 = arith.constant 0 : index
    %swap3A_20 = vector.load %arg5[%swap3A_18, %swap3A_19] : memref<2000x32xf32, #tpu.memory_space<vmem>>, vector<2000x32xf32>
    tpu.vector_store %arg5[%swap3A_18, %swap3A_19], %slice3A_17 {strides = array<i32>} : memref<2000x32xf32, #tpu.memory_space<vmem>>, vector<2000x32xf32>,
    return
  }
  func.func @transform_0(%arg0: i32) -> (i32, i32) {
    %c0_i32 = arith.constant 0 : i32
    %c0_i32_0 = arith.constant 0 : i32
    return %arg0, %c0_i32 : i32, i32
  }
  func.func @transform_1(%arg0: i32) -> (i32, i32) {
    %c0_i32 = arith.constant 0 : i32
    %c0_i32_0 = arith.constant 0 : i32
    %c0_i32_1 = arith.constant 0 : i32
    return %c0_i32, %c0_i32_0 : i32, i32
  }
  func.func @transform_2(%arg0: i32) -> (i32, i32) {
    %c0_i32 = arith.constant 0 : i32
    %c0_i32_0 = arith.constant 0 : i32
    %c0_i32_1 = arith.constant 0 : i32
    return %c0_i32, %c0_i32_0 : i32, i32
  }
  func.func @transform_3(%arg0: i32) -> (i32, i32) {
    %c0_i32 = arith.constant 0 : i32
    %c0_i32_0 = arith.constant 0 : i32
    return %arg0, %c0_i32 : i32, i32
  }
  func.func @transform_4(%arg0: i32) -> (i32, i32) {
    %c0_i32 = arith.constant 0 : i32
    %c0_i32_0 = arith.constant 0 : i32
    return %arg0, %c0_i32 : i32, i32
  }
}

module attributes {stable_mosaic.version = 14 : i64} {
  func.func @_combine_body(%arg0: i32, %arg1: memref<2000x32xf32, #tpu.memory_space<vmem>>, %arg2: memref<2000x32xf32, #tpu.memory_space<vmem>>, %arg3: memref<1x2000x8xf32, #tpu.memory_space<vmem>>, %arg4: memref<1x2000x8xf32, #tpu.memory_space<vmem>>, %arg5: memref<2000x64xf32, #tpu.memory_space<vmem>>) attributes {dimension_semantics = [#tpu.dimension_semantics<arbitrary>], iteration_bounds = array<i64: 25>, scalar_prefetch = 0 : i64, scratch_operands = 0 : i64, tpu.core_type = #tpu.core_type<tc>, window_params = [{transform_indices = @transform_0, window_bounds = array<i64: 2000, 32>}, {transform_indices = @transform_1, window_bounds = array<i64: 2000, 32>}, {transform_indices = @transform_2, window_bounds = array<i64: 1, 2000, 8>}, {transform_indices = @transform_3, window_bounds = array<i64: 1, 2000, 8>}, {transform_indices = @transform_4, window_bounds = array<i64: 2000, 64>}]} {
    %get3A = arith.constant 0 : index
    %get3A_0 = arith.constant 0 : index
    %get3A_1 = arith.constant 0 : index
    %get3A_2 = vector.load %arg3[%get3A, %get3A_0, %get3A_1] : memref<1x2000x8xf32, #tpu.memory_space<vmem>>, vector<1x2000x1xf32>
    %get3A_3 = vector.shape_cast %get3A_2 : vector<1x2000x1xf32> to vector<2000x1xf32>
    %get3A_4 = arith.constant 0 : index
    %get3A_5 = arith.constant 0 : index
    %get3A_6 = arith.constant 0 : index
    %get3A_7 = vector.load %arg4[%get3A_4, %get3A_5, %get3A_6] : memref<1x2000x8xf32, #tpu.memory_space<vmem>>, vector<1x2000x1xf32>
    %get3A_8 = vector.shape_cast %get3A_7 : vector<1x2000x1xf32> to vector<2000x1xf32>
    %add3A = arith.addf %get3A_3, %get3A_8 : vector<2000x1xf32>
    %max3A = arith.constant 1.000000e+00 : f32
    %max3A_9 = vector.broadcast %max3A : f32 to vector<2000x1xf32>
    %max3A_10 = arith.maximumf %add3A, %max3A_9 : vector<2000x1xf32>
    %div3A = arith.constant 1.000000e+00 : f32
    %div3A_11 = vector.broadcast %div3A : f32 to vector<2000x1xf32>
    %div3A_12 = arith.divf %div3A_11, %max3A_10 : vector<2000x1xf32>
    %get3A_13 = arith.constant 0 : index
    %get3A_14 = arith.constant 0 : index
    %get3A_15 = vector.load %arg1[%get3A_13, %get3A_14] : memref<2000x32xf32, #tpu.memory_space<vmem>>, vector<2000x32xf32>
    %mul3A = vector.broadcast %div3A_12 : vector<2000x1xf32> to vector<2000x32xf32>
    %mul3A_16 = arith.mulf %get3A_15, %mul3A : vector<2000x32xf32>
    %get3A_17 = arith.constant 0 : index
    %get3A_18 = arith.constant 0 : index
    %get3A_19 = vector.load %arg2[%get3A_17, %get3A_18] : memref<2000x32xf32, #tpu.memory_space<vmem>>, vector<2000x32xf32>
    %mul3A_20 = vector.broadcast %div3A_12 : vector<2000x1xf32> to vector<2000x32xf32>
    %mul3A_21 = arith.mulf %get3A_19, %mul3A_20 : vector<2000x32xf32>
    %concatenate3A = tpu.concatenate %mul3A_16, %mul3A_21 in 1 : vector<2000x32xf32>, vector<2000x32xf32> -> vector<2000x64xf32>
    %swap3A = arith.constant 0 : index
    %swap3A_22 = arith.constant 0 : index
    %swap3A_23 = vector.load %arg5[%swap3A, %swap3A_22] : memref<2000x64xf32, #tpu.memory_space<vmem>>, vector<2000x64xf32>
    tpu.vector_store %arg5[%swap3A, %swap3A_22], %concatenate3A {strides = array<i32>} : memref<2000x64xf32, #tpu.memory_space<vmem>>, vector<2000x64xf32>,
    return
  }
  func.func @transform_0(%arg0: i32) -> (i32, i32) {
    %c0_i32 = arith.constant 0 : i32
    %c0_i32_0 = arith.constant 0 : i32
    return %arg0, %c0_i32 : i32, i32
  }
  func.func @transform_1(%arg0: i32) -> (i32, i32) {
    %c0_i32 = arith.constant 0 : i32
    %c0_i32_0 = arith.constant 0 : i32
    return %arg0, %c0_i32 : i32, i32
  }
  func.func @transform_2(%arg0: i32) -> (i32, i32, i32) {
    %c0_i32 = arith.constant 0 : i32
    %c0_i32_0 = arith.constant 0 : i32
    %c0_i32_1 = arith.constant 0 : i32
    return %c0_i32, %arg0, %c0_i32_0 : i32, i32, i32
  }
  func.func @transform_3(%arg0: i32) -> (i32, i32, i32) {
    %c1_i32 = arith.constant 1 : i32
    %c0_i32 = arith.constant 0 : i32
    %c0_i32_0 = arith.constant 0 : i32
    return %c1_i32, %arg0, %c0_i32 : i32, i32, i32
  }
  func.func @transform_4(%arg0: i32) -> (i32, i32) {
    %c0_i32 = arith.constant 0 : i32
    %c0_i32_0 = arith.constant 0 : i32
    return %arg0, %c0_i32 : i32, i32
  }
}

</mosaic_0001>

<sc_bundles>
// kernel: kernel.6.cloned.1.call-start
scs
__scs_entry_jumppad:
0x0: {  	(pc) =	sbr.rel $0x88, $3  }
0x1: {  	(tag) =	ssettag $0x0;
	lr =	simm.s32 $0x1  }
0x2: {  	[smem:$0x3F9D] =	sst lr;
	_ =	strace $0xD0000000  }
0x3: {  	_ = 	snop  }
0x4: {  	_ = 	snop  }
0x5: {  	_ = 	snop  }
0x6: {  	_ = 	snop  }
0x7: {  	_ = 	snop  }
__scs_overlays_trampoline_lowered:
0x8: {  	[smem:$0x3FAC] =	sst s0  }
0x9: {  	[smem:$0x3FAD] =	sst s1  }
0xa: {  	[smem:$0x3FAE] =	sst s2  }
0xb: {  	[smem:$0x3FAF] =	sst s3  }
0xc: {  	[smem:$0x3FB0] =	sst s4  }
0xd: {  	[smem:$0x3FB1] =	sst s5  }
0xe: {  	[smem:$0x3FB2] =	sst s6  }
0xf: {  	[smem:$0x3FB3] =	sst s7  }
0x10: {  	[smem:$0x3FB4] =	sst s8  }
0x11: {  	[smem:$0x3FB5] =	sst s9;
	s0 =	simm.s32 @!p0 $0x0  }
0x12: {  	s1 =	sld [smem:$0x3F9B];
	s0 =	simm.s32 @p0 $0x1  }
0x13: {  	[smem:$0x3FB6] =	sst s0;
	s0 =	simm.s32 @!p1 $0x0  }
0x14: {  	s2 =	sld [smem:$0x3F9A];
	s0 =	simm.s32 @p1 $0x1  }
0x15: {  	[smem:$0x3FB7] =	sst s0;
	s0 =	simm.s32 @!p2 $0x0  }
0x16: {  	s3 =	sld [smem:$0x3FDB];
	s0 =	simm.s32 @p2 $0x1  }
0x17: {  	s4 =	simm.s32 $0x1BF5;
	[smem:$0x3FB9] =	sst s0  }
0x18: {  	s0 =	sld [smem:$0x3F9C];
	_ =	swait.ge [sflag:s4], $0x0  }
0x19: {  	s7 =	sld [smem:$0x3F9D]  }
0x1a: {  	s8 =	sadd.s32 $0xFFFFE003, lr  }
0x1b: {  	s9 =	sadd.s32 $0xFFFFFEF7, lr;
	s5 =	simm.s32 $0xFFFFFFFF;
	p2 =	slt.u32 s8, $0xFFFFF086  }
0x1c: {  	p1 =	slt.u32 s9, $0xF7A;
	s5 =	simm.s32 @!p2 $0x0  }
0x1d: {  	s5 =	simm.s32 @p1 $0x1;
	p0 =	seq.s32 s7, s2  }
0x1e: {  	s7 =	smul.u32 @!p0 $0xF7A, s2;
	p2 =	seq.s32 @!p0 s5, $0x0  }
0x1f: {  	s9 =	smul.u32 $0xF7A, s1;
	s8 =	simm.s32 @!p0 $0x1BF5;
	p2 =	por !p2, p0  }
0x20: {  	[sflag:s8] =	ssyncset.s32 @!p0 $0xFFFFF086;
	s6 =	sadd.s32 @!p0 s3, s7;
	s7 =	simm.s32 @!p0 $0x108  }
0x21: {  	s3 =	sadd.s32 s3, s9;
	s6 =	sadd.s32 @!p0 $0x88, s6;
	s7 =	simm.s32 @p2 $0x1082  }
0x22: {  	[simem:s7], [sflag:s8] =	dma.local @!p0 [hbm:s6], $0xF7A  }
0x23: {  	s9 =	sor.u32 $0xD0000000, s2;
	s6 =	simm.s32 $0x108;
	_ =	swait.ge @!p0 [sflag:s8], $0x0  }
0x24: {  	s3 =	sadd.s32 $0x88, s3;
	s6 =	simm.s32 @!p1 $0x1082;
	[sflag:s4] =	ssyncset.s32 $0xFFFFF086  }
0x25: {  	[simem:s6], [sflag:s4] =	dma.local [hbm:s3], $0xF7A  }
0x26: {  	[smem:$0x3F9D] =	sst s1;
	(tag) =	ssettag s2;
	_ =	strace s9  }
0x27: {  	s1 =	sld [smem:$0x3FAD]  }
0x28: {  	s2 =	sld [smem:$0x3FAE]  }
0x29: {  	s4 =	sld [smem:$0x3FB0]  }
0x2a: {  	p0 =	seq.s32 s5, $0x0;
	s5 =	sld [smem:$0x3FB1]  }
0x2b: {  	s6 =	sld [smem:$0x3FB2]  }
0x2c: {  	s7 =	sld [smem:$0x3FB3]  }
0x2d: {  	s3 =	simm.s32 $0x108;
	s8 =	sld [smem:$0x3FB4]  }
0x2e: {  	s3 =	simm.s32 @!p0 $0x1082;
	s9 =	sld [smem:$0x3FB5]  }
0x2f: {  	lr =	sadd.s32 s0, s3;
	s0 =	sld [smem:$0x3FAC]  }
0x30: {  	s3 =	sld [smem:$0x3FAF]  }
0x31: {  	[smem:$0x3FB8] =	sst s10  }
0x32: {  	s10 =	sld [smem:$0x3FB6];
	_ =	sdelay $0x3  }
0x33: {  	p0 =	seq.s32 s10, $0x1;
	s10 =	sld [smem:$0x3FB8];
	_ =	sdelay $0x3  }
0x34: {  	[smem:$0x3FB8] =	sst s10  }
0x35: {  	s10 =	sld [smem:$0x3FB7];
	_ =	sdelay $0x3  }
0x36: {  	p1 =	seq.s32 s10, $0x1;
	s10 =	sld [smem:$0x3FB8];
	_ =	sdelay $0x3  }
0x37: {  	[smem:$0x3FB8] =	sst s10  }
0x38: {  	s10 =	sld [smem:$0x3FB9]  }
0x39: {  	_ = 	snop;
	(pc) =	sbr.ind lr, $3  }
0x3a: {  	_ = 	snop  }
0x3b: {  	_ = 	snop  }
0x3c: {  	p2 =	seq.s32 s10, $0x1;
	s10 =	sld [smem:$0x3FB8]  }
0x3d: {  	_ =	shalt  }
0x3e: {  	_ =	shalt  }
0x3f: {  	_ =	shalt  }
0x40: {  	_ =	shalt  }
0x41: {  	_ =	shalt  }
0x42: {  	_ =	shalt  }
0x43: {  	_ =	shalt  }
0x44: {  	_ =	shalt  }
0x45: {  	_ =	shalt  }
0x46: {  	_ =	shalt  }
0x47: {  	_ =	shalt  }
0x48: {  	_ =	shalt  }
0x49: {  	_ =	shalt  }
0x4a: {  	_ =	shalt  }
0x4b: {  	_ =	shalt  }
0x4c: {  	_ =	shalt  }
0x4d: {  	_ =	shalt  }
0x4e: {  	_ =	shalt  }
0x4f: {  	_ =	shalt  }
0x50: {  	_ =	shalt  }
0x51: {  	_ =	shalt  }
0x52: {  	_ =	shalt  }
0x53: {  	_ =	shalt  }
0x54: {  	_ =	shalt  }
0x55: {  	_ =	shalt  }
0x56: {  	_ =	shalt  }
0x57: {  	_ =	shalt  }
0x58: {  	_ =	shalt  }
0x59: {  	_ =	shalt  }
0x5a: {  	_ =	shalt  }
0x5b: {  	_ =	shalt  }
0x5c: {  	_ =	shalt  }
0x5d: {  	_ =	shalt  }
0x5e: {  	_ =	shalt  }
0x5f: {  	_ =	shalt  }
0x60: {  	_ =	shalt  }
0x61: {  	_ =	shalt  }
0x62: {  	_ =	shalt  }
0x63: {  	_ =	shalt  }
0x64: {  	_ =	shalt  }
0x65: {  	_ =	shalt  }
0x66: {  	_ =	shalt  }
0x67: {  	_ =	shalt  }
0x68: {  	_ =	shalt  }
0x69: {  	_ =	shalt  }
0x6a: {  	_ =	shalt  }
0x6b: {  	_ =	shalt  }
0x6c: {  	_ =	shalt  }
0x6d: {  	_ =	shalt  }
0x6e: {  	_ =	shalt  }
0x6f: {  	_ =	shalt  }
0x70: {  	_ =	shalt  }
0x71: {  	_ =	shalt  }
0x72: {  	_ =	shalt  }
0x73: {  	_ =	shalt  }
0x74: {  	_ =	shalt  }
0x75: {  	_ =	shalt  }
0x76: {  	_ =	shalt  }
0x77: {  	_ =	shalt  }
0x78: {  	_ =	shalt  }
0x79: {  	_ =	shalt  }
0x7a: {  	_ =	shalt  }
0x7b: {  	_ =	shalt  }
0x7c: {  	_ =	shalt  }
0x7d: {  	_ =	shalt  }
0x7e: {  	_ =	shalt  }
0x7f: {  	_ =	shalt  }
0x80: {  	_ =	shalt  }
0x81: {  	_ =	shalt  }
0x82: {  	_ =	shalt  }
0x83: {  	_ =	shalt  }
0x84: {  	_ =	shalt  }
0x85: {  	_ =	shalt  }
0x86: {  	_ =	shalt  }
0x87: {  	_ =	shalt  }
.Lfunc_end0:
.L_simem_size_0:
called_computation_lowered:
.L_overlay_start_0:
0x88: {  	s2 =	sld [smem:$0x3FD9]  }
0x89: {  	s3 =	sld [smem:$0x3FFE];
	_ =	sdelay $0x1  }
0x8a: {  	s1 =	srdreg.scid  }
0x8b: {  	s0 =	sand.u32 $0x1, s1  }
0x8c: {  	s16 =	sshll.u32 s0, $0xA;
	s2 =	sadd.s32 s3, s2  }
0x8d: {  	s2 =	sadd.s32 s2, s16  }
0x8e: {  	[smem:$0x3FC4] =	sst s2  }
0x8f: {  	_ = 	snop  }
0x90: {  	(tm) =	ssettm $0x1  }
0x91: {  	s17 =	sld [smem:$0x3FFB];
	_ =	sdelay $0x3  }
0x92: {  	_ =	strace s17  }
0x93: {  	s2 =	sld [smem:$0x3FFC];
	_ =	sdelay $0x3  }
0x94: {  	_ =	strace s2  }
0x95: {  	s2 =	sld [smem:$0x3FFD];
	_ =	sdelay $0x3  }
0x96: {  	_ =	strace s2  }
0x97: {  	_ =	strace $0x8FFFFFFF  }
0x98: {  	s18 =	sld [smem:$0x3FDB];
	_ =	sdelay $0x1  }
0x99: {  	s19 =	simm.s32 $_scs_section_size  }
0x9a: {  	s4 =	simm.s32 $_size__tile_overlayer_lowered;
	s5 =	simm.s32 $_tile_overlayer_lowered  }
0x9b: {  	s22 =	simm.s32 $0x1BFF;
	s21 =	sshll.u32 s5, $0x1;
	s2 =	sadd.s32 s19, s18  }
0x9c: {  	s6 =	simm.s32 $0x0;
	s20 =	sshll.u32 s4, $0x1;
	s4 =	sadd.s32 s21, s2  }
0x9d: {  	[timem:s6], [sflag:s22] =	dma.local [hbm:s4], s20  }
0x9e: {  	_ =	swait.ge [sflag:s22], s20  }
0x9f: {  	s3 =	ssub.s32 $0x0, s20;
	[sflag:s22] =	ssyncset.done $0x0  }
0xa0: {  	[sflag:s22] =	ssyncadd.s32 s3;
	_ =	sdelay $0x1  }
0xa1: {  	s23 =	simm.s32 $0x1B8B  }
0xa2: {  	_ =	swait.ge [sflag:s23], $0x1  }
0xa3: {  	[sflag:s23] =	ssyncset.done $0x0  }
0xa4: {  	s25 =	simm.s32 $0x1B8E;
	s24 =	sld [smem:$0x3FFE];
	[sflag:s23] =	ssyncadd.s32 $0xFFFFFFFF  }
0xa5: {  	s26 =	simm.s32 $execute0_lowered;
	[smem:$0x3FD2] =	sst s25  }
0xa6: {  	s4 =	sshll.u32 s26, $0x1;
	_ =	strace $0x80000046;
	[dreg:$0x1] =	wrdreg $0xFFFFFFFF  }
0xa7: {  	s28 =	simm.s32 $_size_execute0_lowered;
	s2 =	sadd.s32 s2, s4;
	[dreg:$0x0] =	wrdreg $0x0  }
0xa8: {  	s4 =	sshll.u32 s28, $0x1;
	[dreg:$0x2] =	wrdreg s2  }
0xa9: {  	[dreg:$0x3] =	wrdreg s4  }
0xaa: {  	[dreg:$0x4] =	wrdreg $0xC0  }
0xab: {  	_ =	task [dreg:s6], $0x5FFFF  }
0xac: {  	[dreg:$0x1] =	wrdreg $0xFFFFFFFF  }
0xad: {  	[dreg:$0x0] =	wrdreg $0x60  }
0xae: {  	[dreg:$0x2] =	wrdreg s24  }
0xaf: {  	[dreg:$0x3] =	wrdreg $0x9000  }
0xb0: {  	[dreg:$0x4] =	wrdreg $0x9  }
0xb1: {  	_ =	task.clear_ibuf [dreg:s6], $0x5FFFF;
	_ =	strace $0x90000046  }
0xb2: {  	s29 =	simm.s32 $0x9;
	_ =	strace $0x80000048  }
0xb3: {  	_ =	swait.ge [sflag:s29], $0x1  }
0xb4: {  	[sflag:s29] =	ssyncadd.s32 $0xFFFFFFFF  }
0xb5: {  	_ =	strace $0x90000048  }
0xb6: {  	_ =	sfence  }
0xb7: {  	s30 =	sld [smem:$0x0];
	_ =	sdelay $0x2  }
0xb8: {  	s31 =	sshll.u32 s1, $0xD;
	s1 =	sshrl.u32 s1, $0x2  }
0xb9: {  	s3 =	sand.u32 $0x4000, s31;
	s1 =	sadd.s32 s1, s30  }
0xba: {  	s0 =	sor.u32 s3, s0;
	s1 =	sshll.u32 s1, $0x11  }
0xbb: {  	s0 =	sor.u32 s1, s0  }
0xbc: {  	s0 =	sadd.s32 $0x8F2B, s0  }
0xbd: {  	[sflag:s0] =	ssyncadd.remote.s32 $0x1  }
0xbe: {  	_ =	sfence.sel $0xFFFF  }
0xbf: {  	[dreg:$0x0] =	wrdreg $0xFFFFFFFF;
	(pc) =	sbr.abs _section_cstart, $3  }
0xc0: {  	[dreg:$0x1] =	wrdreg $0xFFFFFFFF  }
0xc1: {  	_ =	task.clear_ibuf [dreg:s6], $0x2FFFF;
	_ =	strace $0x9FFFFFFF  }
0xc2: {  	(tm) =	ssettm $0x7FFFFFFF  }
0xc3: {  	_ =	shalt  }
tec
execute0_lowered:
.L_overlay_start_1:
0x0: {  	(tag) =	ssettag $0x1  }
0x1: {  	s8 =	rddreg [dreg:$0x0]  }
0x2: {  	s2 =	rddreg [dreg:$0x1]  }
0x3: {  	s3 =	simm.s32 $0x0;
	s4 =	srdreg.scid;
	s0 =	stileid.u32  }
0x4: {  	s15 =	simm.s32 $0x500;
	s16 =	simm.s32 $0x100;
	s17 =	simm.s32 $0x200  }
0x5: {  	s18 =	simm.s32 $0x80;
	s19 =	simm.s32 $0x2;
	s20 =	simm.s32 $0x1  }
0x6: {  	s21 =	simm.s32 $0x3;
	s22 =	simm.s32 $0x0;
	s7 =	smul.u32 $0x61C0, s0  }
0x7: {  	[smem:$0x7FF] =	sst s3;
	s9 =	sand.u32 $0x1, s4;
	s10 =	smul.u32 $0xC4, s0  }
0x8: {  	s4 =	sadd.s32 $0xE00, s8;
	s5 =	sadd.s32 $0x19800, s8;
	s30 =	sshll.u32 s0, $0x6  }
0x9: {  	_ =	strace $0x80000047;
	p0 =	seq.s32 s9, $0x1;
	s11 =	smul.u32 $0x62, s9  }
0xa: {  	s9 =	ssub.s32 $0x2, s9;
	s6 =	sadd.s32 $0x61C00, s7;
	s14 =	sadd.s32 s7, s2  }
0xb: {  	s29 =	sshrl.u32 s9, $0x1;
	s7 =	smov.u32 @p0 s6;
	s6 =	sadd.s32 $0x19600, s8  }
0xc: {  	s31 =	ssub.s32 s9, s29;
	s12 =	sshrl.u32 s7, $0x3;
	s7 =	sadd.s32 s11, s10  }
0xd: {  	s9 =	sor.u32 $0x1C03, s30;
	s14 =	sshrl.u32 s14, $0x3;
	s28 =	sshll.u32 s7, $0x5  }
0xe: {  	s13 =	sadd.s32 s12, s8;
	s12 =	smax.u32 s31, $0x1;
	s8 =	sadd.s32 s4, s28  }
0xf: {  	s13 =	sadd.s32 $0x1A600, s13;
	s10 =	sadd.s32 $0x20, s8;
	s11 =	sadd.s32 $0x40, s8  }
.LBB2_1:
0x10: {  	[spmem:s14], [sflag:s9] =	dma.local [hbm:s5], $0xC38  }
0x11: {  	_ =	swait.ge [sflag:s21], $0xC38  }
0x12: {  	[sflag:s21] =	ssyncset.done $0x0  }
0x13: {  	[sflag:s21] =	ssyncadd.s32 $0xFFFFF3C8  }
0x14: {  	[tilespmem:s15], [sflag:$0x3] =	stream.linear.gather [hbm4b:s6+s3], $0x400, $0x38;
	[tilespmem:$0x6AC0] =	vst v63  }
0x15: {  	_ =	swait.ge [sflag:s21], $0x400  }
0x16: {  	[sflag:s21] =	ssyncset.done $0x0  }
0x17: {  	p0 =	por $0x1, $0x1;
	[sflag:s21] =	ssyncadd.s32 $0xFFFFFC00  }
0x18: {  	s24 =	smul.u32 $0xCD, s21;
	s29 =	simm.s32 @!p0 $0x1;
	[bflag:$0x0] =	sbarrier.arrive $0xFFFF  }
0x19: {  	[tilespmem:s3], [sflag:$0x3] =	stream.linear.gather [hbm4b:s8+s3], $0x100, $0x38;
	[tilespmem:$0x6AC0] =	vst v63  }
0x1a: {  	s23 =	sshrl.u32 s24, $0xA;
	s24 =	sadd.s32 $0xFFFFFD99, s24;
	_ =	swait.ge [sflag:s21], $0x100  }
0x1b: {  	s23 =	sand.u32 $0x3F, s23;
	s24 =	sshrl.u32 s24, $0xA;
	[sflag:s21] =	ssyncset.done $0x0  }
0x1c: {  	s25 =	smul.u32 $0x5, s23;
	s23 =	simm.s32 $0x4;
	[sflag:s21] =	ssyncadd.s32 $0xFFFFFF00  }
0x1d: {  	[tilespmem:s16], [sflag:$0x2] =	stream.linear.gather [hbm4b:s10+s3], $0x100, $0x38;
	[tilespmem:$0x6AC0] =	vst v63  }
0x1e: {  	s24 =	sand.u32 $0x3F, s24;
	s26 =	ssub.s32 $0x3, s25;
	s25 =	smul.u32 $0xCD, s23  }
0x1f: {  	[tilespmem:s17], [sflag:$0x2] =	stream.linear.gather [hbm4b:s11+s3], $0x100, $0x38;
	[tilespmem:$0x6AC0] =	vst v63  }
0x20: {  	s24 =	smul.u32 $0x5, s24;
	_ =	swait.ge @!p0 [sflag:s29], $0x400  }
0x21: {  	s26 =	sand.u32 $0xFF, s26;
	s30 =	sshrl.u32 s25, $0xA;
	[sflag:s29] =	ssyncset.done @!p0 $0x0  }
0x22: {  	s24 =	ssub.s32 $0x0, s24;
	s31 =	sand.u32 $0x3F, s30;
	[sflag:s29] =	ssyncadd.s32 @!p0 $0xFFFFFC00  }
0x23: {  	s28 =	sshll.u32 s26, $0x8;
	s30 =	smul.u32 $0x5, s31;
	_ =	swait.ge @!p0 [sflag:s29], $0x400  }
0x24: {  	s26 =	simm.s32 $0x5;
	s24 =	sand.u32 $0xFF, s24;
	[sflag:s29] =	ssyncset.done @!p0 $0x0  }
0x25: {  	s24 =	sshll.u32 s24, $0x8;
	s30 =	ssub.s32 $0x4, s30;
	[sflag:s29] =	ssyncadd.s32 @!p0 $0xFFFFFC00  }
0x26: {  	[spmem:s2] =	stream.indirect.scatter.add.f32 [tilespmem:s15], [sflag:$0x1], $0x8, s24, s18, $0xb8;
	[tilespmem:$0x6AC0] =	vst v63  }
0x27: {  	s29 =	sand.u32 $0xFF, s30;
	s30 =	smin.u32 s21, $0x61;
	s24 =	sor.u32 $0x80, s24  }
0x28: {  	[spmem:s2] =	stream.indirect.scatter.add.f32 [tilespmem:s15], [sflag:$0x1], $0x8, s24, s18, $0xb8;
	[tilespmem:$0x6AC0] =	vst v63  }
0x29: {  	p0 =	por $0x1, $0x1;
	s30 =	sadd.s32 s7, s30;
	_ =	swait.ge [sflag:s19], $0x100  }
0x2a: {  	s30 =	sshll.u32 s30, $0x5;
	s24 =	sshll.u32 s29, $0x8;
	[sflag:s19] =	ssyncset.done $0x0  }
0x2b: {  	s29 =	simm.s32 $0x1;
	s30 =	sadd.s32 s4, s30;
	[sflag:s19] =	ssyncadd.s32 $0xFFFFFF00  }
.LBB2_2:
0x2c: {  	s31 =	smul.u32 $0xCD, s26  }
0x2d: {  	s0 =	simm.s32 @!p0 $0x1;
	s1 =	smov.u32 s26;
	s26 =	sadd.s32 $0x1, s26  }
0x2e: {  	[tilespmem:s28], [sflag:$0x2] =	stream.linear.gather [hbm4b:s30+s3], $0x100, $0x38;
	[tilespmem:$0x6AC0] =	vst v63  }
0x2f: {  	s25 =	sadd.s32 $0xFFFFFD99, s25;
	s28 =	sshrl.u32 s31, $0xA;
	_ =	swait.ge @!p0 [sflag:s0], $0x400  }
0x30: {  	s25 =	sshrl.u32 s25, $0xA;
	s28 =	sand.u32 $0x3F, s28;
	[sflag:s0] =	ssyncset.done @!p0 $0x0  }
0x31: {  	s25 =	sand.u32 $0x3F, s25;
	s28 =	smul.u32 $0x5, s28;
	[sflag:s0] =	ssyncadd.s32 @!p0 $0xFFFFFC00  }
0x32: {  	p1 =	sne.s32 s26, $0x65;
	s30 =	smul.u32 $0x5, s25;
	s25 =	smov.u32 s31  }
0x33: {  	s31 =	ssub.s32 s1, s28;
	s28 =	smov.u32 s24  }
0x34: {  	s29 =	ssub.s32 s29, s30;
	s24 =	sand.u32 $0xFF, s31;
	_ =	swait.ge @!p0 [sflag:s0], $0x400  }
0x35: {  	s29 =	sand.u32 $0xFF, s29;
	s24 =	sshll.u32 s24, $0x8;
	[sflag:s0] =	ssyncset.done @!p0 $0x0  }
0x36: {  	[sflag:s0] =	ssyncadd.s32 @!p0 $0xFFFFFC00;
	s0 =	sshll.u32 s29, $0x8  }
0x37: {  	[spmem:s2] =	stream.indirect.scatter.add.f32 [tilespmem:s15], [sflag:$0x1], $0x8, s0, s18, $0xb8;
	[tilespmem:$0x6AC0] =	vst v63  }
.Ltmp0:
0x38: {  	s23 =	smin.u32 s23, $0x61;
	s0 =	sor.u32 $0x80, s0;
	(pc) =	sbr.rel @p1 .LBB2_2-.Ltmp0, $4  }
0x39: {  	[spmem:s2] =	stream.indirect.scatter.add.f32 [tilespmem:s15], [sflag:$0x1], $0x8, s0, s18, $0xb8;
	[tilespmem:$0x6AC0] =	vst v63  }
0x3a: {  	s0 =	sadd.s32 s7, s23;
	s23 =	smov.u32 s1;
	_ =	swait.ge [sflag:s19], $0x100  }
0x3b: {  	s29 =	sadd.s32 $0xFFFFFFFD, s23;
	s0 =	sshll.u32 s0, $0x5;
	[sflag:s19] =	ssyncset.done $0x0  }
0x3c: {  	p0 =	slt.u32 s29, $0x2;
	s30 =	sadd.s32 s4, s0;
	[sflag:s19] =	ssyncadd.s32 $0xFFFFFF00  }
0x3d: {  	[tilespmem:s28], [sflag:$0x2] =	stream.linear.gather [hbm4b:s30+s3], $0x100, $0x38;
	[tilespmem:$0x6AC0] =	vst v63  }
0x3e: {  	s0 =	sadd.s32 $0xFFFFFD99, s25  }
0x3f: {  	s1 =	simm.s32 @!p0 $0x1;
	s0 =	sshrl.u32 s0, $0xA  }
0x40: {  	_ =	swait.ge @!p0 [sflag:s1], $0x400;
	s0 =	sand.u32 $0x3F, s0  }
0x41: {  	[sflag:s1] =	ssyncset.done @!p0 $0x0;
	s0 =	smul.u32 $0x5, s0  }
0x42: {  	[sflag:s1] =	ssyncadd.s32 @!p0 $0xFFFFFC00  }
0x43: {  	_ =	swait.ge @!p0 [sflag:s1], $0x400;
	s0 =	ssub.s32 s29, s0  }
0x44: {  	[sflag:s1] =	ssyncset.done @!p0 $0x0;
	s0 =	sand.u32 $0xFF, s0  }
0x45: {  	[sflag:s1] =	ssyncadd.s32 @!p0 $0xFFFFFC00;
	s0 =	sshll.u32 s0, $0x8  }
0x46: {  	[spmem:s2] =	stream.indirect.scatter.add.f32 [tilespmem:s15], [sflag:$0x1], $0x8, s0, s18, $0xb8;
	[tilespmem:$0x6AC0] =	vst v63  }
0x47: {  	s30 =	smin.u32 s23, $0x61;
	s0 =	sor.u32 $0x80, s0  }
0x48: {  	[spmem:s2] =	stream.indirect.scatter.add.f32 [tilespmem:s15], [sflag:$0x1], $0x8, s0, s18, $0xb8;
	[tilespmem:$0x6AC0] =	vst v63  }
0x49: {  	s31 =	sadd.s32 s7, s30;
	_ =	swait.ge [sflag:s19], $0x100  }
0x4a: {  	s0 =	sshll.u32 s31, $0x5;
	[sflag:s19] =	ssyncset.done $0x0  }
0x4b: {  	s0 =	sadd.s32 s4, s0;
	[sflag:s19] =	ssyncadd.s32 $0xFFFFFF00  }
0x4c: {  	[tilespmem:s24], [sflag:$0x2] =	stream.linear.gather [hbm4b:s0+s3], $0x100, $0x38;
	[tilespmem:$0x6AC0] =	vst v63  }
0x4d: {  	_ =	swait.ge [sflag:s20], $0x400  }
0x4e: {  	[sflag:s20] =	ssyncset.done $0x0  }
0x4f: {  	[sflag:s20] =	ssyncadd.s32 $0xFFFFFC00  }
0x50: {  	_ =	swait.ge [sflag:s20], $0x400  }
0x51: {  	[sflag:s20] =	ssyncset.done $0x0  }
0x52: {  	[sflag:s20] =	ssyncadd.s32 $0xFFFFFC00  }
0x53: {  	_ =	swait.ge [sflag:s20], $0x400  }
0x54: {  	[sflag:s20] =	ssyncset.done $0x0  }
0x55: {  	[sflag:s20] =	ssyncadd.s32 $0xFFFFFC00  }
0x56: {  	_ =	swait.ge [sflag:s20], $0x400  }
0x57: {  	[sflag:s20] =	ssyncset.done $0x0  }
0x58: {  	[sflag:s20] =	ssyncadd.s32 $0xFFFFFC00  }
0x59: {  	_ =	swait.ge [sflag:s19], $0x100  }
0x5a: {  	[sflag:s19] =	ssyncset.done $0x0  }
0x5b: {  	[sflag:s19] =	ssyncadd.s32 $0xFFFFFF00  }
0x5c: {  	_ =	swait.ge [sflag:s19], $0x100  }
0x5d: {  	s22 =	sadd.s32 $0x1, s22;
	[sflag:s19] =	ssyncset.done $0x0  }
0x5e: {  	p0 =	sne.s32 s22, s12;
	[sflag:s19] =	ssyncadd.s32 $0xFFFFFF00  }
.Ltmp1:
0x5f: {  	[bflag:$0x0] =	sbarrier.arrive $0xFFFF;
	(pc) =	sbr.rel @p0 .LBB2_1-.Ltmp1, $4  }
0x60: {  	[hbm:s13], [sflag:s9] =	dma.local [spmem:s14], $0xC38  }
0x61: {  	_ =	swait.ge [sflag:s21], $0xC38  }
0x62: {  	[sflag:s21] =	ssyncset.done $0x0  }
0x63: {  	[sflag:s21] =	ssyncadd.s32 $0xFFFFF3C8  }
0x64: {  	_ =	sfence.sel $0x180000  }
0x65: {  	[bflag:$0x0] =	sbarrier.arrive $0xFFFF  }
0x66: {  	_ =	strace $0x90000047  }
0x67: {  	s0 =	stileid.u32;
	[bflag:$0x2] =	sbarrier.arrive $0xFFFF  }
0x68: {  	p0 =	sne.s32 s0, $0x0;
	s0 =	rddreg [dreg:$0x2]  }
0x69: {  	s0 =	sadd.s32 @!p0 $0x100000, s0  }
0x6a: {  	[sflag:s0] =	ssyncadd.tile.s32 @!p0 $0x1;
	_ =	shalt  }
.Lfunc_end2:
_tile_overlayer_lowered:
.L_overlay_start_2:
0x6b: {  	(tag) =	ssettag $0x2  }
0x6c: {  	s0 =	rddreg [dreg:$0x0];
	s2 =	stileid.u32  }
0x6d: {  	s1 =	rddreg [dreg:$0x1];
	p0 =	sne.s32 s2, $0x0  }
0x6e: {  	s3 =	rddreg [dreg:$0x2];
	[bflag:$0x3] =	sbarrier.arrive $0xFFFF;
	s2 =	simm.s32 @!p0 $0x1C03  }
0x6f: {  	[timem:s3], [sflag:s2] =	dma.local @!p0 [hbm:s0], s1  }
0x70: {  	s0 =	simm.s32 @!p0 $0x3  }
0x71: {  	_ =	swait.ge @!p0 [sflag:s0], s1  }
0x72: {  	s1 =	ssub.s32 @!p0 $0x0, s1;
	[sflag:s0] =	ssyncset.done @!p0 $0x0  }
0x73: {  	[sflag:s0] =	ssyncadd.s32 @!p0 s1  }
0x74: {  	[bflag:$0x3] =	sbarrier.arrive $0xFFFF  }
0x75: {  	_ =	shalt  }

// kernel: kernel.9.cloned.1.call-start
scs
__scs_entry_jumppad:
0x0: {  	(pc) =	sbr.rel $0x88, $3  }
0x1: {  	(tag) =	ssettag $0x0;
	lr =	simm.s32 $0x1  }
0x2: {  	[smem:$0x3F9D] =	sst lr;
	_ =	strace $0xD0000000  }
0x3: {  	_ = 	snop  }
0x4: {  	_ = 	snop  }
0x5: {  	_ = 	snop  }
0x6: {  	_ = 	snop  }
0x7: {  	_ = 	snop  }
__scs_overlays_trampoline_lowered:
0x8: {  	[smem:$0x3FAC] =	sst s0  }
0x9: {  	[smem:$0x3FAD] =	sst s1  }
0xa: {  	[smem:$0x3FAE] =	sst s2  }
0xb: {  	[smem:$0x3FAF] =	sst s3  }
0xc: {  	[smem:$0x3FB0] =	sst s4  }
0xd: {  	[smem:$0x3FB1] =	sst s5  }
0xe: {  	[smem:$0x3FB2] =	sst s6  }
0xf: {  	[smem:$0x3FB3] =	sst s7  }
0x10: {  	[smem:$0x3FB4] =	sst s8  }
0x11: {  	[smem:$0x3FB5] =	sst s9;
	s0 =	simm.s32 @!p0 $0x0  }
0x12: {  	s1 =	sld [smem:$0x3F9B];
	s0 =	simm.s32 @p0 $0x1  }
0x13: {  	[smem:$0x3FB6] =	sst s0;
	s0 =	simm.s32 @!p1 $0x0  }
0x14: {  	s2 =	sld [smem:$0x3F9A];
	s0 =	simm.s32 @p1 $0x1  }
0x15: {  	[smem:$0x3FB7] =	sst s0;
	s0 =	simm.s32 @!p2 $0x0  }
0x16: {  	s3 =	sld [smem:$0x3FDB];
	s0 =	simm.s32 @p2 $0x1  }
0x17: {  	s4 =	simm.s32 $0x1BF5;
	[smem:$0x3FB9] =	sst s0  }
0x18: {  	s0 =	sld [smem:$0x3F9C];
	_ =	swait.ge [sflag:s4], $0x0  }
0x19: {  	s7 =	sld [smem:$0x3F9D]  }
0x1a: {  	s8 =	sadd.s32 $0xFFFFE003, lr  }
0x1b: {  	s9 =	sadd.s32 $0xFFFFFEF7, lr;
	s5 =	simm.s32 $0xFFFFFFFF;
	p2 =	slt.u32 s8, $0xFFFFF086  }
0x1c: {  	p1 =	slt.u32 s9, $0xF7A;
	s5 =	simm.s32 @!p2 $0x0  }
0x1d: {  	s5 =	simm.s32 @p1 $0x1;
	p0 =	seq.s32 s7, s2  }
0x1e: {  	s7 =	smul.u32 @!p0 $0xF7A, s2;
	p2 =	seq.s32 @!p0 s5, $0x0  }
0x1f: {  	s9 =	smul.u32 $0xF7A, s1;
	s8 =	simm.s32 @!p0 $0x1BF5;
	p2 =	por !p2, p0  }
0x20: {  	[sflag:s8] =	ssyncset.s32 @!p0 $0xFFFFF086;
	s6 =	sadd.s32 @!p0 s3, s7;
	s7 =	simm.s32 @!p0 $0x108  }
0x21: {  	s3 =	sadd.s32 s3, s9;
	s6 =	sadd.s32 @!p0 $0x88, s6;
	s7 =	simm.s32 @p2 $0x1082  }
0x22: {  	[simem:s7], [sflag:s8] =	dma.local @!p0 [hbm:s6], $0xF7A  }
0x23: {  	s9 =	sor.u32 $0xD0000000, s2;
	s6 =	simm.s32 $0x108;
	_ =	swait.ge @!p0 [sflag:s8], $0x0  }
0x24: {  	s3 =	sadd.s32 $0x88, s3;
	s6 =	simm.s32 @!p1 $0x1082;
	[sflag:s4] =	ssyncset.s32 $0xFFFFF086  }
0x25: {  	[simem:s6], [sflag:s4] =	dma.local [hbm:s3], $0xF7A  }
0x26: {  	[smem:$0x3F9D] =	sst s1;
	(tag) =	ssettag s2;
	_ =	strace s9  }
0x27: {  	s1 =	sld [smem:$0x3FAD]  }
0x28: {  	s2 =	sld [smem:$0x3FAE]  }
0x29: {  	s4 =	sld [smem:$0x3FB0]  }
0x2a: {  	p0 =	seq.s32 s5, $0x0;
	s5 =	sld [smem:$0x3FB1]  }
0x2b: {  	s6 =	sld [smem:$0x3FB2]  }
0x2c: {  	s7 =	sld [smem:$0x3FB3]  }
0x2d: {  	s3 =	simm.s32 $0x108;
	s8 =	sld [smem:$0x3FB4]  }
0x2e: {  	s3 =	simm.s32 @!p0 $0x1082;
	s9 =	sld [smem:$0x3FB5]  }
0x2f: {  	lr =	sadd.s32 s0, s3;
	s0 =	sld [smem:$0x3FAC]  }
0x30: {  	s3 =	sld [smem:$0x3FAF]  }
0x31: {  	[smem:$0x3FB8] =	sst s10  }
0x32: {  	s10 =	sld [smem:$0x3FB6];
	_ =	sdelay $0x3  }
0x33: {  	p0 =	seq.s32 s10, $0x1;
	s10 =	sld [smem:$0x3FB8];
	_ =	sdelay $0x3  }
0x34: {  	[smem:$0x3FB8] =	sst s10  }
0x35: {  	s10 =	sld [smem:$0x3FB7];
	_ =	sdelay $0x3  }
0x36: {  	p1 =	seq.s32 s10, $0x1;
	s10 =	sld [smem:$0x3FB8];
	_ =	sdelay $0x3  }
0x37: {  	[smem:$0x3FB8] =	sst s10  }
0x38: {  	s10 =	sld [smem:$0x3FB9]  }
0x39: {  	_ = 	snop;
	(pc) =	sbr.ind lr, $3  }
0x3a: {  	_ = 	snop  }
0x3b: {  	_ = 	snop  }
0x3c: {  	p2 =	seq.s32 s10, $0x1;
	s10 =	sld [smem:$0x3FB8]  }
0x3d: {  	_ =	shalt  }
0x3e: {  	_ =	shalt  }
0x3f: {  	_ =	shalt  }
0x40: {  	_ =	shalt  }
0x41: {  	_ =	shalt  }
0x42: {  	_ =	shalt  }
0x43: {  	_ =	shalt  }
0x44: {  	_ =	shalt  }
0x45: {  	_ =	shalt  }
0x46: {  	_ =	shalt  }
0x47: {  	_ =	shalt  }
0x48: {  	_ =	shalt  }
0x49: {  	_ =	shalt  }
0x4a: {  	_ =	shalt  }
0x4b: {  	_ =	shalt  }
0x4c: {  	_ =	shalt  }
0x4d: {  	_ =	shalt  }
0x4e: {  	_ =	shalt  }
0x4f: {  	_ =	shalt  }
0x50: {  	_ =	shalt  }
0x51: {  	_ =	shalt  }
0x52: {  	_ =	shalt  }
0x53: {  	_ =	shalt  }
0x54: {  	_ =	shalt  }
0x55: {  	_ =	shalt  }
0x56: {  	_ =	shalt  }
0x57: {  	_ =	shalt  }
0x58: {  	_ =	shalt  }
0x59: {  	_ =	shalt  }
0x5a: {  	_ =	shalt  }
0x5b: {  	_ =	shalt  }
0x5c: {  	_ =	shalt  }
0x5d: {  	_ =	shalt  }
0x5e: {  	_ =	shalt  }
0x5f: {  	_ =	shalt  }
0x60: {  	_ =	shalt  }
0x61: {  	_ =	shalt  }
0x62: {  	_ =	shalt  }
0x63: {  	_ =	shalt  }
0x64: {  	_ =	shalt  }
0x65: {  	_ =	shalt  }
0x66: {  	_ =	shalt  }
0x67: {  	_ =	shalt  }
0x68: {  	_ =	shalt  }
0x69: {  	_ =	shalt  }
0x6a: {  	_ =	shalt  }
0x6b: {  	_ =	shalt  }
0x6c: {  	_ =	shalt  }
0x6d: {  	_ =	shalt  }
0x6e: {  	_ =	shalt  }
0x6f: {  	_ =	shalt  }
0x70: {  	_ =	shalt  }
0x71: {  	_ =	shalt  }
0x72: {  	_ =	shalt  }
0x73: {  	_ =	shalt  }
0x74: {  	_ =	shalt  }
0x75: {  	_ =	shalt  }
0x76: {  	_ =	shalt  }
0x77: {  	_ =	shalt  }
0x78: {  	_ =	shalt  }
0x79: {  	_ =	shalt  }
0x7a: {  	_ =	shalt  }
0x7b: {  	_ =	shalt  }
0x7c: {  	_ =	shalt  }
0x7d: {  	_ =	shalt  }
0x7e: {  	_ =	shalt  }
0x7f: {  	_ =	shalt  }
0x80: {  	_ =	shalt  }
0x81: {  	_ =	shalt  }
0x82: {  	_ =	shalt  }
0x83: {  	_ =	shalt  }
0x84: {  	_ =	shalt  }
0x85: {  	_ =	shalt  }
0x86: {  	_ =	shalt  }
0x87: {  	_ =	shalt  }
.Lfunc_end0:
.L_simem_size_0:
called_computation.1_lowered:
.L_overlay_start_0:
0x88: {  	s2 =	sld [smem:$0x3FD9]  }
0x89: {  	s3 =	sld [smem:$0x3FFE];
	_ =	sdelay $0x1  }
0x8a: {  	s1 =	srdreg.scid  }
0x8b: {  	s0 =	sand.u32 $0x1, s1  }
0x8c: {  	s17 =	sshll.u32 s0, $0xA;
	s2 =	sadd.s32 s3, s2  }
0x8d: {  	s2 =	sadd.s32 s2, s17  }
0x8e: {  	[smem:$0x3FC4] =	sst s2  }
0x8f: {  	_ = 	snop  }
0x90: {  	s18 =	sld [smem:$0x3FD0];
	(tm) =	ssettm $0x1  }
0x91: {  	s19 =	sld [smem:$0x3FFB];
	_ =	sdelay $0x3  }
0x92: {  	_ =	strace s19  }
0x93: {  	s2 =	sld [smem:$0x3FFC];
	_ =	sdelay $0x3  }
0x94: {  	_ =	strace s2  }
0x95: {  	s2 =	sld [smem:$0x3FFD];
	_ =	sdelay $0x3  }
0x96: {  	_ =	strace s2  }
0x97: {  	_ =	strace $0x8FFFFFFF  }
0x98: {  	s20 =	sld [smem:$0x3FDB];
	_ =	sdelay $0x1  }
0x99: {  	s4 =	simm.s32 $_scs_section_size  }
0x9a: {  	s5 =	simm.s32 $_size__tile_overlayer_lowered;
	s6 =	simm.s32 $_tile_overlayer_lowered  }
0x9b: {  	s7 =	simm.s32 $0x1BFF;
	s21 =	sshll.u32 s6, $0x1;
	s4 =	sadd.s32 s4, s20  }
0x9c: {  	s22 =	simm.s32 $0x0;
	s5 =	sshll.u32 s5, $0x1;
	s6 =	sadd.s32 s21, s4  }
0x9d: {  	[timem:s22], [sflag:s7] =	dma.local [hbm:s6], s5  }
0x9e: {  	_ =	swait.ge [sflag:s7], s5  }
0x9f: {  	s5 =	ssub.s32 $0x0, s5;
	[sflag:s7] =	ssyncset.done $0x0  }
0xa0: {  	[sflag:s7] =	ssyncadd.s32 s5;
	_ =	sdelay $0x1  }
0xa1: {  	s23 =	simm.s32 $0x1B8B  }
0xa2: {  	_ =	swait.ge [sflag:s23], $0x1  }
0xa3: {  	[sflag:s23] =	ssyncset.done $0x0  }
0xa4: {  	[sflag:s23] =	ssyncadd.s32 $0xFFFFFFFF  }
0xa5: {  	s5 =	sld [smem:$0x0]  }
0xa6: {  	s6 =	sand.u32 $0xFFFFFFFE, s1  }
0xa7: {  	p0 =	sne.s32 s1, s6  }
0xa8: {  	s6 =	sshll.u32 @p0 s6, $0xE  }
0xa9: {  	s6 =	sadd.s32 @p0 $0x11B8D, s6;
	s7 =	sshll.u32 @p0 s5, $0x11  }
0xaa: {  	s6 =	sor.u32 @p0 s7, s6  }
0xab: {  	[sflag:s6] =	ssyncadd.remote.s32 @p0 $0x1;
	_ =	sdelay $0x1  }
0xac: {  	s6 =	simm.s32 @p0 $0x1B8D  }
0xad: {  	_ =	swait.eq @p0 [sflag:s6], $0x1  }
0xae: {  	[sflag:s6] =	ssyncadd.s32 @p0 $0xFFFFFFFF  }
0xaf: {  	s7 =	sshll.u32 @!p0 s1, $0xE  }
0xb0: {  	s7 =	sor.u32 @!p0 $0x4000, s7;
	s6 =	simm.s32 @!p0 $0x1B8D  }
0xb1: {  	s5 =	sshll.u32 @!p0 s5, $0x11;
	s7 =	sadd.s32 @!p0 $0x11B8D, s7;
	_ =	swait.eq @!p0 [sflag:s6], $0x1  }
0xb2: {  	s5 =	sor.u32 @!p0 s5, s7;
	[sflag:s6] =	ssyncadd.s32 @!p0 $0xFFFFFFFF  }
0xb3: {  	s25 =	simm.s32 $0x1B8E;
	s24 =	sld [smem:$0x3FFE];
	[sflag:s5] =	ssyncadd.remote.s32 @!p0 $0x1  }
0xb4: {  	s26 =	simm.s32 $execute0_lowered;
	[smem:$0x3FD2] =	sst s25  }
0xb5: {  	s6 =	sshll.u32 s26, $0x1;
	_ =	strace $0x80000049;
	[dreg:$0x1] =	wrdreg $0xFFFFFFFF  }
0xb6: {  	s28 =	simm.s32 $_size_execute0_lowered;
	s4 =	sadd.s32 s4, s6;
	[dreg:$0x0] =	wrdreg $0x0  }
0xb7: {  	s6 =	sshll.u32 s28, $0x1;
	[dreg:$0x2] =	wrdreg s4  }
0xb8: {  	[dreg:$0x3] =	wrdreg s6  }
0xb9: {  	[dreg:$0x4] =	wrdreg $0xC0  }
0xba: {  	_ =	task [dreg:s22], $0x5FFFF  }
0xbb: {  	[dreg:$0x1] =	wrdreg $0xFFFFFFFF  }
0xbc: {  	[dreg:$0x0] =	wrdreg $0x60  }
0xbd: {  	[dreg:$0x2] =	wrdreg s24  }
0xbe: {  	[dreg:$0x3] =	wrdreg s18  }
0xbf: {  	[dreg:$0x4] =	wrdreg $0x68000  }
0xc0: {  	[dreg:$0x5] =	wrdreg $0xA  }
0xc1: {  	_ =	task.clear_ibuf [dreg:s22], $0x6FFFF;
	_ =	strace $0x90000049  }
0xc2: {  	s29 =	simm.s32 $0xA;
	_ =	strace $0x8000004B  }
0xc3: {  	_ =	swait.ge [sflag:s29], $0x1  }
0xc4: {  	[sflag:s29] =	ssyncadd.s32 $0xFFFFFFFF  }
0xc5: {  	_ =	strace $0x9000004B  }
0xc6: {  	_ =	sfence  }
0xc7: {  	s30 =	sld [smem:$0x0];
	_ =	sdelay $0x2  }
0xc8: {  	s31 =	sshll.u32 s1, $0xD;
	s1 =	sshrl.u32 s1, $0x2  }
0xc9: {  	s4 =	sand.u32 $0x4000, s31;
	s1 =	sadd.s32 s1, s30  }
0xca: {  	s0 =	sor.u32 s4, s0;
	s1 =	sshll.u32 s1, $0x11  }
0xcb: {  	s0 =	sor.u32 s1, s0  }
0xcc: {  	s0 =	sadd.s32 $0x8F2B, s0  }
0xcd: {  	[sflag:s0] =	ssyncadd.remote.s32 $0x1  }
0xce: {  	_ =	sfence.sel $0xFFFF  }
0xcf: {  	[dreg:$0x0] =	wrdreg $0xFFFFFFFF;
	(pc) =	sbr.abs _section_cstart, $3  }
0xd0: {  	[dreg:$0x1] =	wrdreg $0xFFFFFFFF  }
0xd1: {  	_ =	task.clear_ibuf [dreg:s22], $0x2FFFF;
	_ =	strace $0x9FFFFFFF  }
0xd2: {  	(tm) =	ssettm $0x7FFFFFFF  }
0xd3: {  	_ =	shalt  }
tec
execute0_lowered:
.L_overlay_start_1:
0x0: {  	(tag) =	ssettag $0x1  }
0x1: {  	s0 =	rddreg [dreg:$0x0]  }
0x2: {  	s4 =	rddreg [dreg:$0x1]  }
0x3: {  	s1 =	rddreg [dreg:$0x2];
	s2 =	simm.s32 $0x0  }
0x4: {  	s8 =	srdreg.scid;
	s13 =	stileid.u32;
	s30 =	simm.s32 $0x1  }
0x5: {  	s31 =	simm.s32 $0x3;
	[smem:$0x7FF] =	sst s2;
	s3 =	sadd.s32 $0x32E00, s0  }
0x6: {  	s5 =	sadd.s32 $0xE00, s0;
	s7 =	sadd.s32 $0x1D2200, s0;
	s6 =	sadd.s32 $0x4B600, s0  }
0x7: {  	s9 =	sand.u32 $0x1, s8;
	s17 =	sadd.s32 $0x7C400, s0;
	s10 =	smul.u32 $0x18700, s13  }
0x8: {  	s0 =	sadd.s32 $0x7F600, s0;
	s12 =	smul.u32 $0xC4, s13;
	s19 =	sshll.u32 s13, $0x6  }
0x9: {  	s13 =	smul.u32 $0x1880, s13;
	_ =	strace $0x8000004A;
	[dreg:$0x5] =	wrdreg s17  }
0xa: {  	s18 =	ssub.s32 $0x2, s9;
	s8 =	sor.u32 $0x1C04, s19;
	p0 =	seq.s32 s9, $0x0  }
0xb: {  	s11 =	sshrl.u32 s18, $0x1;
	s17 =	sadd.s32 s10, s1;
	[dreg:$0x4] =	wrdreg s12  }
0xc: {  	s20 =	sadd.s32 s3, s13;
	s21 =	sadd.s32 s5, s13;
	s22 =	sor.u32 $0x20, s13  }
0xd: {  	s14 =	sor.u32 $0x40, s13;
	s28 =	sshrl.u32 s10, $0x3;
	s0 =	smov.u32 @p0 s4  }
0xe: {  	s6 =	smov.u32 @p0 s7;
	s4 =	simm.s32 $0x0;
	[dreg:$0x6] =	wrdreg s20  }
0xf: {  	s15 =	ssub.s32 s18, s11;
	[dreg:$0x7] =	wrdreg s21;
	s23 =	sadd.s32 s3, s22  }
0x10: {  	s24 =	sadd.s32 s5, s22;
	s25 =	sadd.s32 s3, s14;
	[dreg:$0x8] =	wrdreg s23  }
0x11: {  	s26 =	sadd.s32 s5, s14;
	s16 =	sadd.s32 s0, s28;
	[dreg:$0x9] =	wrdreg s24  }
0x12: {  	s17 =	sshrl.u32 s17, $0x3;
	s18 =	simm.s32 $0x4;
	[dreg:$0xa] =	wrdreg s25  }
0x13: {  	s20 =	simm.s32 $0x100;
	[dreg:$0xb] =	wrdreg s26;
	s29 =	smax.u32 s15, $0x1  }
0x14: {  	s22 =	simm.s32 $0x80;
	s0 =	simm.s32 $0x2;
	[dreg:$0xc] =	wrdreg s29  }
.LBB2_1:
0x15: {  	s7 =	rddreg [dreg:$0x5]  }
0x16: {  	[spmem:s17], [sflag:s8] =	dma.local [hbm:s7], $0x30E0  }
0x17: {  	_ =	swait.ge [sflag:s18], $0x30E0  }
0x18: {  	[sflag:s18] =	ssyncset.done $0x0  }
0x19: {  	[sflag:s18] =	ssyncadd.s32 $0xFFFFCF20  }
0x1a: {  	[bflag:$0x0] =	sbarrier.arrive $0xFFFF  }
0x1b: {  	s12 =	rddreg [dreg:$0x6]  }
0x1c: {  	[tilespmem:s2], [sflag:$0x4] =	stream.linear.gather [hbm4b:s12+s2], $0x100, $0x38;
	[tilespmem:$0x1EF00] =	vst v63  }
0x1d: {  	_ =	swait.ge [sflag:s18], $0x100  }
0x1e: {  	[sflag:s18] =	ssyncset.done $0x0  }
0x1f: {  	s9 =	simm.s32 $0x400;
	s13 =	rddreg [dreg:$0x7];
	[sflag:s18] =	ssyncadd.s32 $0xFFFFFF00  }
0x20: {  	[tilespmem:s9], [sflag:$0x4] =	stream.linear.gather [hbm4b:s13+s2], $0x100, $0x38;
	[tilespmem:$0x1EF00] =	vst v63  }
0x21: {  	_ =	swait.ge [sflag:s18], $0x100  }
0x22: {  	[sflag:s18] =	ssyncset.done $0x0  }
0x23: {  	s14 =	rddreg [dreg:$0x8];
	[sflag:s18] =	ssyncadd.s32 $0xFFFFFF00  }
0x24: {  	[tilespmem:s20], [sflag:$0x3] =	stream.linear.gather [hbm4b:s14+s2], $0x100, $0x38;
	[tilespmem:$0x1EF00] =	vst v63  }
0x25: {  	s19 =	simm.s32 $0x500;
	s15 =	rddreg [dreg:$0x9]  }
0x26: {  	[tilespmem:s19], [sflag:$0x3] =	stream.linear.gather [hbm4b:s15+s2], $0x100, $0x38;
	[tilespmem:$0x1EF00] =	vst v63  }
0x27: {  	s21 =	simm.s32 $0x800  }
0x28: {  	[tilespmem:s21], [sflag:$0x1] =	stream.indirect.gather [hbm4b:s6+s22], $0x20, s2, s22, $0xb8;
	[tilespmem:$0x1EF00] =	vst v63  }
0x29: {  	s23 =	simm.s32 $0x1800  }
0x2a: {  	[tilespmem:s23], [sflag:$0x1] =	stream.indirect.gather [hbm4b:s6+s22], $0x20, s22, s22, $0xb8;
	[tilespmem:$0x1EF00] =	vst v63  }
0x2b: {  	_ =	swait.ge [sflag:s31], $0x100  }
0x2c: {  	[sflag:s31] =	ssyncset.done $0x0  }
0x2d: {  	[sflag:s31] =	ssyncadd.s32 $0xFFFFFF00  }
0x2e: {  	_ =	swait.ge [sflag:s31], $0x100  }
0x2f: {  	[sflag:s31] =	ssyncset.done $0x0  }
0x30: {  	s25 =	simm.s32 $0x200;
	s24 =	rddreg [dreg:$0xa];
	[sflag:s31] =	ssyncadd.s32 $0xFFFFFF00  }
0x31: {  	[tilespmem:s25], [sflag:$0x3] =	stream.linear.gather [hbm4b:s24+s2], $0x100, $0x38;
	[tilespmem:$0x1EF00] =	vst v63  }
0x32: {  	s28 =	simm.s32 $0x600;
	s26 =	rddreg [dreg:$0xb]  }
0x33: {  	[tilespmem:s28], [sflag:$0x3] =	stream.linear.gather [hbm4b:s26+s2], $0x100, $0x38;
	[tilespmem:$0x1EF00] =	vst v63  }
0x34: {  	s9 =	simm.s32 $0x2800  }
0x35: {  	[tilespmem:s9], [sflag:$0x1] =	stream.indirect.gather [hbm4b:s6+s22], $0x20, s20, s22, $0xb8;
	[tilespmem:$0x1EF00] =	vst v63  }
0x36: {  	s10 =	simm.s32 $0x180;
	s11 =	simm.s32 $0x3800;
	p0 =	por $0x1, $0x1  }
0x37: {  	[tilespmem:s11], [sflag:$0x1] =	stream.indirect.gather [hbm4b:s6+s22], $0x20, s10, s22, $0xb8;
	[tilespmem:$0x1EF00] =	vst v63  }
0x38: {  	s13 =	simm.s32 $0x0;
	s10 =	simm.s32 @!p0 $0x2  }
0x39: {  	s19 =	simm.s32 $0x4;
	s12 =	rddreg [dreg:$0x4];
	_ =	swait.ge @!p0 [sflag:s10], $0x1000  }
0x3a: {  	s15 =	sand.u32 $0x300, s2;
	s23 =	simm.s32 $0x2;
	[sflag:s10] =	ssyncset.done @!p0 $0x0  }
0x3b: {  	s23 =	sand.u32 $0xFF, s23;
	s9 =	smul.u32 $0xAB, s13;
	[sflag:s10] =	ssyncadd.s32 @!p0 $0xFFFFF000  }
0x3c: {  	s21 =	smin.u32 s31, $0xC3;
	s14 =	smul.u32 $0xAB, s23;
	_ =	swait.ge @!p0 [sflag:s10], $0x1000  }
0x3d: {  	s23 =	sor.u32 $0x400, s15;
	s9 =	sshrl.u32 s9, $0x9;
	[sflag:s10] =	ssyncset.done @!p0 $0x0  }
0x3e: {  	s7 =	sadd.s32 s12, s21;
	s9 =	sand.u32 $0x7F, s9;
	[sflag:s10] =	ssyncadd.s32 @!p0 $0xFFFFF000  }
0x3f: {  	s21 =	sshrl.u32 s14, $0x9;
	s9 =	smul.u32 $0x3, s9;
	_ =	swait.ge [sflag:s30], $0x1000  }
0x40: {  	s24 =	simm.s32 $0x5;
	s25 =	sshll.u32 s7, $0x5;
	[sflag:s30] =	ssyncset.done $0x0  }
0x41: {  	s7 =	sor.u32 $0x480, s15;
	s9 =	ssub.s32 $0x0, s9;
	[sflag:s30] =	ssyncadd.s32 $0xFFFFF000  }
0x42: {  	s9 =	sand.u32 $0xFF, s9;
	s10 =	smul.u32 $0x3, s21;
	_ =	swait.ge [sflag:s30], $0x1000  }
0x43: {  	s28 =	simm.s32 $0x200;
	s9 =	sshll.u32 s9, $0xD;
	[sflag:s30] =	ssyncset.done $0x0  }
0x44: {  	s26 =	sor.u32 $0x800, s9;
	s10 =	ssub.s32 $0x2, s10;
	[sflag:s30] =	ssyncadd.s32 $0xFFFFF000  }
0x45: {  	[spmem:s1] =	stream.indirect.scatter.add.f32 [tilespmem:s26], [sflag:$0x2], $0x20, s23, s22, $0xb8;
	[tilespmem:$0x1EF00] =	vst v63  }
0x46: {  	s21 =	simm.s32 $0x100;
	s9 =	sor.u32 $0x1800, s9;
	s10 =	sand.u32 $0xFF, s10  }
0x47: {  	[spmem:s1] =	stream.indirect.scatter.add.f32 [tilespmem:s9], [sflag:$0x2], $0x20, s7, s22, $0xb8;
	[tilespmem:$0x1EF00] =	vst v63  }
0x48: {  	s10 =	sshll.u32 s10, $0xD;
	s23 =	simm.s32 $0xC00;
	_ =	swait.ge [sflag:s31], $0x100  }
0x49: {  	s26 =	simm.s32 $0x300;
	s9 =	sand.u32 $0x300, s28;
	[sflag:s31] =	ssyncset.done $0x0  }
0x4a: {  	s29 =	sand.u32 $0x300, s26;
	s7 =	sor.u32 $0x80, s9;
	[sflag:s31] =	ssyncadd.s32 $0xFFFFFF00  }
.LBB2_2:
0x4b: {  	_ =	swait.ge [sflag:s31], $0x100;
	s11 =	sor.u32 $0x1800, s10  }
0x4c: {  	s10 =	sor.u32 $0x800, s10;
	s14 =	sadd.s32 $0xFFFFFFFD, s19;
	[sflag:s31] =	ssyncset.done $0x0  }
0x4d: {  	s15 =	smin.u32 s19, $0xC3;
	s13 =	rddreg [dreg:$0x4];
	[sflag:s31] =	ssyncadd.s32 $0xFFFFFF00  }
0x4e: {  	[tilespmem:s10], [sflag:$0x1] =	stream.indirect.gather [hbm4b:s6+s22], $0x20, s9, s22, $0xb8;
	[tilespmem:$0x1EF00] =	vst v63  }
0x4f: {  	p1 =	seq.s32 s19, $0x3;
	s9 =	smul.u32 $0xAB, s14;
	s10 =	sadd.s32 s13, s15  }
0x50: {  	[tilespmem:s11], [sflag:$0x1] =	stream.indirect.gather [hbm4b:s6+s22], $0x20, s7, s22, $0xb8;
	[tilespmem:$0x1EF00] =	vst v63  }
0x51: {  	s13 =	sadd.s32 s3, s25;
	s15 =	sshrl.u32 s9, $0x9;
	s11 =	sor.u32 $0x400, s29  }
0x52: {  	[tilespmem:s29], [sflag:$0x3] =	stream.linear.gather [hbm4b:s13+s2], $0x100, $0x38;
	[tilespmem:$0x1EF00] =	vst v63  }
0x53: {  	s7 =	sand.u32 $0x7F, s15;
	s15 =	sadd.s32 s5, s25;
	s13 =	simm.s32 @!p1 $0x2  }
0x54: {  	[tilespmem:s11], [sflag:$0x3] =	stream.linear.gather [hbm4b:s15+s2], $0x100, $0x38;
	[tilespmem:$0x1EF00] =	vst v63  }
0x55: {  	s12 =	smov.u32 s24;
	s24 =	sadd.s32 $0x1, s24;
	_ =	swait.ge @!p1 [sflag:s13], $0x1000  }
0x56: {  	s26 =	smov.u32 s21;
	s28 =	smov.u32 s23;
	[sflag:s13] =	ssyncset.done @!p1 $0x0  }
0x57: {  	s23 =	sadd.s32 $0x400, s23;
	p0 =	sne.s32 s24, $0xC7;
	[sflag:s13] =	ssyncadd.s32 @!p1 $0xFFFFF000  }
0x58: {  	s9 =	sshll.u32 s10, $0x5;
	s10 =	sadd.s32 $0xFFFFFFFF, s19;
	_ =	swait.ge @!p1 [sflag:s13], $0x1000  }
0x59: {  	s19 =	smov.u32 s12;
	s7 =	smul.u32 $0x3, s7;
	[sflag:s13] =	ssyncset.done @!p1 $0x0  }
0x5a: {  	s25 =	sand.u32 $0xFF, s10;
	s11 =	sand.u32 $0x300, s21;
	[sflag:s13] =	ssyncadd.s32 @!p1 $0xFFFFF000  }
0x5b: {  	s7 =	ssub.s32 s14, s7;
	s15 =	smul.u32 $0xAB, s25;
	_ =	swait.ge [sflag:s30], $0x1000  }
0x5c: {  	s25 =	smov.u32 s9;
	s21 =	sadd.s32 $0x100, s21;
	[sflag:s30] =	ssyncset.done $0x0  }
0x5d: {  	s14 =	sor.u32 $0x400, s11;
	s7 =	sand.u32 $0xFF, s7;
	[sflag:s30] =	ssyncadd.s32 $0xFFFFF000  }
0x5e: {  	s12 =	sor.u32 $0x480, s11;
	s15 =	sshrl.u32 s15, $0x9;
	_ =	swait.ge [sflag:s30], $0x1000  }
0x5f: {  	s7 =	sshll.u32 s7, $0xD;
	s9 =	smul.u32 $0x3, s15;
	[sflag:s30] =	ssyncset.done $0x0  }
0x60: {  	s15 =	sshrl.u32 s28, $0x2;
	s13 =	sor.u32 $0x800, s7;
	[sflag:s30] =	ssyncadd.s32 $0xFFFFF000  }
0x61: {  	[spmem:s1] =	stream.indirect.scatter.add.f32 [tilespmem:s13], [sflag:$0x2], $0x20, s14, s22, $0xb8;
	[tilespmem:$0x1EF00] =	vst v63  }
.Ltmp0:
0x62: {  	s9 =	ssub.s32 s10, s9;
	s7 =	sor.u32 $0x1800, s7;
	(pc) =	sbr.rel @p0 .LBB2_2-.Ltmp0, $4  }
0x63: {  	[spmem:s1] =	stream.indirect.scatter.add.f32 [tilespmem:s7], [sflag:$0x2], $0x20, s12, s22, $0xb8;
	[tilespmem:$0x1EF00] =	vst v63  }
0x64: {  	s28 =	sadd.s32 $0x300, s26;
	s9 =	sand.u32 $0xFF, s9;
	_ =	swait.ge [sflag:s31], $0x100  }
0x65: {  	s10 =	sshll.u32 s9, $0xD;
	s9 =	sand.u32 $0x300, s15;
	[sflag:s31] =	ssyncset.done $0x0  }
0x66: {  	s29 =	sand.u32 $0x300, s28;
	s7 =	sor.u32 $0x80, s9;
	[sflag:s31] =	ssyncadd.s32 $0xFFFFFF00  }
0x67: {  	_ =	swait.ge [sflag:s31], $0x100  }
0x68: {  	[sflag:s31] =	ssyncset.done $0x0  }
0x69: {  	s11 =	sor.u32 $0x800, s10;
	[sflag:s31] =	ssyncadd.s32 $0xFFFFFF00  }
0x6a: {  	[tilespmem:s11], [sflag:$0x1] =	stream.indirect.gather [hbm4b:s6+s22], $0x20, s9, s22, $0xb8;
	[tilespmem:$0x1EF00] =	vst v63  }
0x6b: {  	s13 =	sor.u32 $0x1800, s10  }
0x6c: {  	[tilespmem:s13], [sflag:$0x1] =	stream.indirect.gather [hbm4b:s6+s22], $0x20, s7, s22, $0xb8;
	[tilespmem:$0x1EF00] =	vst v63  }
0x6d: {  	s14 =	sadd.s32 s3, s25;
	p0 =	seq.s32 s19, $0x3  }
0x6e: {  	[tilespmem:s29], [sflag:$0x3] =	stream.linear.gather [hbm4b:s14+s2], $0x100, $0x38;
	[tilespmem:$0x1EF00] =	vst v63  }
0x6f: {  	s15 =	sor.u32 $0x400, s29;
	s24 =	sadd.s32 s5, s25;
	s11 =	simm.s32 @!p0 $0x2  }
0x70: {  	[tilespmem:s15], [sflag:$0x3] =	stream.linear.gather [hbm4b:s24+s2], $0x100, $0x38;
	[tilespmem:$0x1EF00] =	vst v63  }
0x71: {  	s7 =	rddreg [dreg:$0x4];
	_ =	swait.ge @!p0 [sflag:s11], $0x1000  }
0x72: {  	s25 =	sadd.s32 $0xFFFFFFFD, s19;
	[sflag:s11] =	ssyncset.done @!p0 $0x0  }
0x73: {  	s26 =	smul.u32 $0xAB, s25;
	[sflag:s11] =	ssyncadd.s32 @!p0 $0xFFFFF000  }
0x74: {  	_ =	swait.ge @!p0 [sflag:s11], $0x1000  }
0x75: {  	s10 =	sshrl.u32 s26, $0x9;
	[sflag:s11] =	ssyncset.done @!p0 $0x0  }
0x76: {  	s10 =	sand.u32 $0x7F, s10;
	[sflag:s11] =	ssyncadd.s32 @!p0 $0xFFFFF000  }
0x77: {  	s10 =	smul.u32 $0x3, s10;
	_ =	swait.ge [sflag:s30], $0x1000  }
0x78: {  	[sflag:s30] =	ssyncset.done $0x0  }
0x79: {  	s28 =	sand.u32 $0x300, s21;
	s9 =	ssub.s32 s25, s10;
	[sflag:s30] =	ssyncadd.s32 $0xFFFFF000  }
0x7a: {  	s13 =	sadd.s32 $0xFFFFFFFF, s19;
	s9 =	sand.u32 $0xFF, s9;
	_ =	swait.ge [sflag:s30], $0x1000  }
0x7b: {  	s29 =	sor.u32 $0x400, s28;
	s9 =	sshll.u32 s9, $0xD;
	[sflag:s30] =	ssyncset.done $0x0  }
0x7c: {  	s14 =	sand.u32 $0xFF, s13;
	s12 =	sor.u32 $0x800, s9;
	[sflag:s30] =	ssyncadd.s32 $0xFFFFF000  }
0x7d: {  	[spmem:s1] =	stream.indirect.scatter.add.f32 [tilespmem:s12], [sflag:$0x2], $0x20, s29, s22, $0xb8;
	[tilespmem:$0x1EF00] =	vst v63  }
0x7e: {  	s10 =	sor.u32 $0x480, s28;
	s9 =	sor.u32 $0x1800, s9;
	s12 =	smul.u32 $0xAB, s14  }
0x7f: {  	[spmem:s1] =	stream.indirect.scatter.add.f32 [tilespmem:s9], [sflag:$0x2], $0x20, s10, s22, $0xb8;
	[tilespmem:$0x1EF00] =	vst v63  }
0x80: {  	s15 =	sshrl.u32 s12, $0x9  }
0x81: {  	s9 =	smul.u32 $0x3, s15;
	_ =	swait.ge [sflag:s31], $0x100  }
0x82: {  	s23 =	sshrl.u32 s23, $0x2;
	[sflag:s31] =	ssyncset.done $0x0  }
0x83: {  	s26 =	sadd.s32 $0x300, s21;
	s9 =	ssub.s32 s13, s9;
	[sflag:s31] =	ssyncadd.s32 $0xFFFFFF00  }
0x84: {  	s25 =	smin.u32 s19, $0xC3;
	s9 =	sand.u32 $0xFF, s9;
	_ =	swait.ge [sflag:s31], $0x100  }
0x85: {  	s7 =	sadd.s32 s7, s25;
	s9 =	sshll.u32 s9, $0xD;
	[sflag:s31] =	ssyncset.done $0x0  }
0x86: {  	s10 =	sand.u32 $0x300, s23;
	s24 =	sor.u32 $0x800, s9;
	[sflag:s31] =	ssyncadd.s32 $0xFFFFFF00  }
0x87: {  	[tilespmem:s24], [sflag:$0x1] =	stream.indirect.gather [hbm4b:s6+s22], $0x20, s10, s22, $0xb8;
	[tilespmem:$0x1EF00] =	vst v63  }
0x88: {  	s7 =	sshll.u32 s7, $0x5;
	s9 =	sor.u32 $0x1800, s9;
	s10 =	sor.u32 $0x80, s10  }
0x89: {  	[tilespmem:s9], [sflag:$0x1] =	stream.indirect.gather [hbm4b:s6+s22], $0x20, s10, s22, $0xb8;
	[tilespmem:$0x1EF00] =	vst v63  }
0x8a: {  	s28 =	sadd.s32 s3, s7;
	s9 =	sand.u32 $0x300, s26  }
0x8b: {  	[tilespmem:s9], [sflag:$0x3] =	stream.linear.gather [hbm4b:s28+s2], $0x100, $0x38;
	[tilespmem:$0x1EF00] =	vst v63  }
0x8c: {  	s7 =	sadd.s32 s5, s7;
	s9 =	sor.u32 $0x400, s9  }
0x8d: {  	[tilespmem:s9], [sflag:$0x3] =	stream.linear.gather [hbm4b:s7+s2], $0x100, $0x38;
	[tilespmem:$0x1EF00] =	vst v63  }
0x8e: {  	_ =	swait.ge [sflag:s0], $0x1000  }
0x8f: {  	[sflag:s0] =	ssyncset.done $0x0  }
0x90: {  	[sflag:s0] =	ssyncadd.s32 $0xFFFFF000  }
0x91: {  	_ =	swait.ge [sflag:s0], $0x1000  }
0x92: {  	[sflag:s0] =	ssyncset.done $0x0  }
0x93: {  	[sflag:s0] =	ssyncadd.s32 $0xFFFFF000  }
0x94: {  	_ =	swait.ge [sflag:s30], $0x1000  }
0x95: {  	[sflag:s30] =	ssyncset.done $0x0  }
0x96: {  	[sflag:s30] =	ssyncadd.s32 $0xFFFFF000  }
0x97: {  	_ =	swait.ge [sflag:s30], $0x1000  }
0x98: {  	[sflag:s30] =	ssyncset.done $0x0  }
0x99: {  	[sflag:s30] =	ssyncadd.s32 $0xFFFFF000  }
0x9a: {  	_ =	swait.ge [sflag:s30], $0x1000  }
0x9b: {  	[sflag:s30] =	ssyncset.done $0x0  }
0x9c: {  	[sflag:s30] =	ssyncadd.s32 $0xFFFFF000  }
0x9d: {  	_ =	swait.ge [sflag:s30], $0x1000  }
0x9e: {  	[sflag:s30] =	ssyncset.done $0x0  }
0x9f: {  	[sflag:s30] =	ssyncadd.s32 $0xFFFFF000  }
0xa0: {  	_ =	swait.ge [sflag:s31], $0x100  }
0xa1: {  	[sflag:s31] =	ssyncset.done $0x0  }
0xa2: {  	[sflag:s31] =	ssyncadd.s32 $0xFFFFFF00  }
0xa3: {  	_ =	swait.ge [sflag:s31], $0x100  }
0xa4: {  	[sflag:s31] =	ssyncset.done $0x0  }
0xa5: {  	[sflag:s31] =	ssyncadd.s32 $0xFFFFFF00  }
0xa6: {  	[bflag:$0x0] =	sbarrier.arrive $0xFFFF  }
0xa7: {  	[hbm:s16], [sflag:s8] =	dma.local [spmem:s17], $0x30E0  }
0xa8: {  	_ =	swait.ge [sflag:s18], $0x30E0  }
0xa9: {  	s4 =	sadd.s32 $0x1, s4;
	s29 =	rddreg [dreg:$0xc]  }
0xaa: {  	p0 =	sne.s32 s4, s29  }
.Ltmp1:
0xab: {  	_ = 	snop;
	(pc) =	sbr.rel @p0 .LBB2_1-.Ltmp1, $3  }
0xac: {  	_ =	sdelay $0x1  }
0xad: {  	[sflag:s18] =	ssyncset.done $0x0  }
0xae: {  	[sflag:s18] =	ssyncadd.s32 $0xFFFFCF20  }
0xaf: {  	_ =	sfence.sel $0x180000  }
0xb0: {  	[bflag:$0x0] =	sbarrier.arrive $0xFFFF  }
0xb1: {  	_ =	strace $0x9000004A  }
0xb2: {  	s0 =	stileid.u32;
	[bflag:$0x2] =	sbarrier.arrive $0xFFFF  }
0xb3: {  	p0 =	sne.s32 s0, $0x0;
	s0 =	rddreg [dreg:$0x3]  }
0xb4: {  	s0 =	sadd.s32 @!p0 $0x100000, s0  }
0xb5: {  	[sflag:s0] =	ssyncadd.tile.s32 @!p0 $0x1;
	_ =	shalt  }
.Lfunc_end2:
_tile_overlayer_lowered:
.L_overlay_start_2:
0xb6: {  	(tag) =	ssettag $0x2  }
0xb7: {  	s0 =	rddreg [dreg:$0x0];
	s2 =	stileid.u32  }
0xb8: {  	s1 =	rddreg [dreg:$0x1];
	p0 =	sne.s32 s2, $0x0  }
0xb9: {  	s3 =	rddreg [dreg:$0x2];
	[bflag:$0x3] =	sbarrier.arrive $0xFFFF;
	s2 =	simm.s32 @!p0 $0x1C04  }
0xba: {  	[timem:s3], [sflag:s2] =	dma.local @!p0 [hbm:s0], s1  }
0xbb: {  	s0 =	simm.s32 @!p0 $0x4  }
0xbc: {  	_ =	swait.ge @!p0 [sflag:s0], s1  }
0xbd: {  	s1 =	ssub.s32 @!p0 $0x0, s1;
	[sflag:s0] =	ssyncset.done @!p0 $0x0  }
0xbe: {  	[sflag:s0] =	ssyncadd.s32 @!p0 s1  }
0xbf: {  	[bflag:$0x3] =	sbarrier.arrive $0xFFFF  }
0xc0: {  	_ =	shalt  }

</sc_bundles>
